<compile_context>
chip_gen: v7x
topology: tpu7x:2x2x1
jax: 0.10.2.dev20260603
libtpu: 0.0.44.dev20260713+nightly
codegen_flags: <defaults>
</compile_context>

<pallas_src>
import functools

import jax
import jax.numpy as jnp
from jax import lax
from jax.experimental import pallas as pl
from jax.experimental.pallas import tpu as pltpu
from jax.experimental.pallas import tpu_sc as plsc

NC = 2
NS = 16
L = 16
NW = NC * NS
CH = 80


def _mesh():
    return plsc.VectorSubcoreMesh(
        core_axis_name="c", subcore_axis_name="s", num_cores=NC, num_subcores=NS
    )


@functools.lru_cache(maxsize=None)
def _deg_kernel(n, epw):
    @functools.partial(
        pl.kernel,
        out_type=jax.ShapeDtypeStruct((NW, n), jnp.float32),
        mesh=_mesh(),
        scratch_types=[
            pltpu.VMEM((epw,), jnp.int32),
            pltpu.VMEM((epw,), jnp.float32),
            pltpu.VMEM((n,), jnp.float32),
        ],
        compiler_params=pltpu.CompilerParams(use_tc_tiling_on_sc=False, needs_layout_passes=False),
    )
    def deg_k(col_hbm, w_hbm, out_hbm, col_v, w_v, deg_v):
        cid = lax.axis_index("c")
        sid = lax.axis_index("s")
        wid = sid * NC + cid
        pltpu.sync_copy(col_hbm.at[wid], col_v)
        pltpu.sync_copy(w_hbm.at[wid], w_v)

        def zb(i, c):
            deg_v[pl.ds(i * L, L)] = jnp.zeros((L,), jnp.float32)
            return c

        lax.fori_loop(0, n // L, zb, 0)

        def eb(i, c):
            plsc.addupdate_scatter(deg_v, [col_v[pl.ds(i * L, L)]],
                                   w_v[pl.ds(i * L, L)])
            return c

        lax.fori_loop(0, epw // L, eb, 0)
        pltpu.sync_copy(deg_v, out_hbm.at[wid])

    return deg_k


@functools.lru_cache(maxsize=None)
def _prop_kernel(n, d, nch):
    rps = n // NS

    @functools.partial(
        pl.kernel,
        out_type=jax.ShapeDtypeStruct((NC, n, d), jnp.float32),
        mesh=_mesh(),
        scratch_types=[
            pltpu.VMEM((nch, CH), jnp.int32),
            pltpu.VMEM((nch, CH), jnp.int32),
            pltpu.VMEM((nch, CH), jnp.float32),
            pltpu.VMEM((CH, d), jnp.float32),
            pltpu.VMEM_SHARED((n, d), jnp.float32),
            pltpu.SemaphoreType.DMA,
        ],
        compiler_params=pltpu.CompilerParams(use_tc_tiling_on_sc=False, needs_layout_passes=False),
    )
    def prop_k(y_hbm, row_hbm, col_hbm, w_hbm, zero_hbm, out_hbm,
               row_v, col_v, w_v, gbuf, acc_sh, sem):
        cid = lax.axis_index("c")
        sid = lax.axis_index("s")
        wid = sid * NC + cid

        pltpu.sync_copy(zero_hbm.at[pl.ds(sid * rps, rps)],
                        acc_sh.at[pl.ds(sid * rps, rps)])
        pltpu.sync_copy(row_hbm.at[wid], row_v)
        pltpu.sync_copy(col_hbm.at[wid], col_v)
        pltpu.sync_copy(w_hbm.at[wid], w_v)
        plsc.subcore_barrier()

        def chunk(j, c):
            pltpu.async_copy(y_hbm.at[row_v.at[j]], gbuf, sem).wait()
            jv = jnp.full((L,), j, jnp.int32)

            def rowb(r, c2):
                wspl = plsc.load_gather(w_v, [jv, jnp.full((L,), r, jnp.int32)])
                for k in range(d // L):
                    gbuf[r, pl.ds(k * L, L)] = gbuf[r, pl.ds(k * L, L)] * wspl
                return c2

            lax.fori_loop(0, CH, rowb, 0)
            pltpu.sync_copy(gbuf, acc_sh.at[col_v.at[j]], add=True)
            return c

        lax.fori_loop(0, nch, chunk, 0)
        plsc.subcore_barrier()
        pltpu.sync_copy(acc_sh.at[pl.ds(sid * rps, rps)],
                        out_hbm.at[cid, pl.ds(sid * rps, rps)])

    return prop_k


def _tc1_body(degp_ref, x_ref, w1_ref, y1_ref, dis_ref):
    deg = lax.dot_general(degp_ref[...], jnp.ones((NW, 1), jnp.float32),
                          (((0,), (0,)), ((), ())),
                          preferred_element_type=jnp.float32) + 1.0
    dis = lax.rsqrt(deg)
    xw = jnp.dot(x_ref[...], w1_ref[...], preferred_element_type=jnp.float32)
    y1_ref[...] = dis * xw
    dis_ref[...] = dis


def _tc2_body(acc_ref, y1_ref, dis_ref, b1_ref, w2_ref, y2_ref):
    dis = dis_ref[...]
    s = dis * (acc_ref[0] + acc_ref[1] + y1_ref[...]) + b1_ref[...]
    h = jnp.maximum(s, 0.0)
    y2_ref[...] = dis * jnp.dot(h, w2_ref[...], preferred_element_type=jnp.float32)


def _tc3_body(acc_ref, y2_ref, dis_ref, b2_ref, o_ref):
    o = dis_ref[...] * (acc_ref[0] + acc_ref[1] + y2_ref[...]) + b2_ref[...]
    m = jnp.max(o, axis=1, keepdims=True)
    s = o - m
    o_ref[...] = s - jnp.log(jnp.sum(jnp.exp(s), axis=1, keepdims=True))


def kernel(x, edge_index, edge_weight, W1, b1, W2, b2):
    n, d_in = x.shape
    d_hid = W1.shape[1]
    d_out = W2.shape[1]
    e = edge_weight.shape[0]
    assert e % (NW * CH) == 0 and n % NS == 0
    nch = e // (NW * CH)

    f32 = jnp.float32
    row3 = edge_index[0].astype(jnp.int32).reshape(NW, nch, CH)
    col3 = edge_index[1].astype(jnp.int32).reshape(NW, nch, CH)
    w3 = edge_weight.astype(f32).reshape(NW, nch, CH)
    epw = e // NW
    zh = jnp.zeros((n, d_hid), f32)
    zo = jnp.zeros((n, d_out), f32)

    degp = _deg_kernel(n, epw)(col3.reshape(NW, epw), w3.reshape(NW, epw))

    y1, dis = pl.pallas_call(
        _tc1_body,
        out_shape=(
            jax.ShapeDtypeStruct((n, d_hid), f32),
            jax.ShapeDtypeStruct((n, 1), f32),
        ),
    )(degp, x, W1)

    acc1 = _prop_kernel(n, d_hid, nch)(y1, row3, col3, w3, zh)

    y2 = pl.pallas_call(
        _tc2_body,
        out_shape=jax.ShapeDtypeStruct((n, d_out), f32),
    )(acc1, y1, dis, b1.reshape(1, d_hid), W2)

    acc2 = _prop_kernel(n, d_out, nch)(y2, row3, col3, w3, zo)

    out = pl.pallas_call(
        _tc3_body,
        out_shape=jax.ShapeDtypeStruct((n, d_out), f32),
    )(acc2, y2, dis, b2.reshape(1, d_out))

    return out

# --- scband reference (transcript-rebuilt; emitter-appended) ---
"""Pipeline reference for scband-net-27865747816552 (READ-ONLY COPY).

The authoritative reference and input builder live on the scoring server;
editing this copy changes nothing except your own understanding.
"""

import jax, jax.numpy as jnp
import numpy as np

N_NODES = 10000
N_EDGES = 320000
D_IN = 128
D_HID = 16
D_OUT = 64


def gcn_conv(x, edge_index, edge_weight, W, b):
    # Faithful PyG GCNConv with normalize=True, add_self_loops=True.
    N = x.shape[0]
    row = edge_index[0]
    col = edge_index[1]
    loop = jnp.arange(N, dtype=edge_index.dtype)
    row = jnp.concatenate([row, loop])
    col = jnp.concatenate([col, loop])
    w = jnp.concatenate([edge_weight, jnp.ones((N,), x.dtype)])
    # symmetric normalization: deg computed at target (col)
    deg = jnp.zeros((N,), x.dtype).at[col].add(w)
    deg_inv_sqrt = jnp.where(deg > 0, jax.lax.rsqrt(jnp.where(deg > 0, deg, 1.0)), 0.0)
    norm = deg_inv_sqrt[row] * w * deg_inv_sqrt[col]
    # linear transform then propagate (gather from source, scatter-add at target)
    xw = x @ W
    msg = norm[:, None] * jnp.take(xw, row, axis=0)
    out = jnp.zeros((N, W.shape[1]), x.dtype).at[col].add(msg)
    return out + b


def setup_inputs(seed: int = 0) -> dict:
    key = jax.random.key(seed)
    k1, k2, k3, k4, k5 = jax.random.split(key, 5)
    x = jax.random.normal(k1, (N_NODES, D_IN), dtype=jnp.float32)
    edge_index = jax.random.randint(k2, (2, N_EDGES), 0, N_NODES, dtype=jnp.int64)
    edge_weight = jax.random.uniform(k3, (N_EDGES,), dtype=jnp.float32)
    W1 = jax.random.normal(k4, (D_IN, D_HID), dtype=jnp.float32) * (1.0 / np.sqrt(D_IN))
    b1 = jnp.zeros((D_HID,), dtype=jnp.float32)
    W2 = jax.random.normal(k5, (D_HID, D_OUT), dtype=jnp.float32) * (1.0 / np.sqrt(D_HID))
    b2 = jnp.zeros((D_OUT,), dtype=jnp.float32)
    return {"x": x, "edge_index": edge_index, "edge_weight": edge_weight, "W1": W1, "b1": b1, "W2": W2, "b2": b2}


def reference(x, edge_index, edge_weight, W1, b1, W2, b2):
    h = jax.nn.relu(gcn_conv(x, edge_index, edge_weight, W1, b1))
    # dropout skipped (eval mode / training=False)
    h = gcn_conv(h, edge_index, edge_weight, W2, b2)
    return jax.nn.log_softmax(h, axis=1)

if __name__ == "__main__":
    import jax
    _d = setup_inputs()
    print(jax.jit(kernel)(*tuple(_d.values())))

</pallas_src>

<mosaic_0001>
#map = affine_map<(d0, d1) -> (0, 0)>
module attributes {stable_mosaic.version = 14 : i64} {
  func.func @deg_k(%arg0: i32, %arg1: i32, %arg2: memref<32x10000xi32, #tpu.memory_space<hbm>>, %arg3: memref<32x10000xf32, #tpu.memory_space<hbm>>, %arg4: memref<32x10000xf32, #tpu.memory_space<hbm>>, %arg5: memref<10000xi32, #tpu.memory_space<vmem>>, %arg6: memref<10000xf32, #tpu.memory_space<vmem>>, %arg7: memref<10000xf32, #tpu.memory_space<vmem>>) attributes {dimension_semantics = [#tpu.dimension_semantics<core_parallel>, #tpu.dimension_semantics<subcore_parallel>], iteration_bounds = array<i64: 2, 16>, scalar_prefetch = 0 : i64, scratch_operands = 3 : i64, tpu.core_type = #tpu.core_type<sc_vector_subcore>, window_params = [{transform_indices = #map}, {transform_indices = #map}, {transform_indices = #map}]} {
    %mul3A = arith.constant 2 : i32
    %mul3A_0 = arith.muli %arg1, %mul3A : i32
    %add3A = arith.addi %mul3A_0, %arg0 : i32
    "tpu.region"() ({
      %run_scoped3A = tpu.sem_alloc : memref<!tpu.dma_semaphore, #tpu.memory_space<semaphore_mem>>
      %dma_start3A = arith.constant 0 : i32
      %dma_start3A_12 = tpu.memref_slice %arg2[%add3A, %dma_start3A] : memref<32x10000xi32, #tpu.memory_space<hbm>> -> memref<1x10000xi32, #tpu.memory_space<hbm>>
      %dma_start3A_13 = tpu.memref_squeeze %dma_start3A_12 : memref<1x10000xi32, #tpu.memory_space<hbm>> -> memref<10000xi32, #tpu.memory_space<hbm>>
      %dma_start3A_14 = arith.constant 0 : i32
      %dma_start3A_15 = tpu.memref_slice %arg2[%add3A, %dma_start3A_14] : memref<32x10000xi32, #tpu.memory_space<hbm>> -> memref<1x10000xi32, #tpu.memory_space<hbm>>
      %dma_start3A_16 = tpu.memref_squeeze %dma_start3A_15 : memref<1x10000xi32, #tpu.memory_space<hbm>> -> memref<10000xi32, #tpu.memory_space<hbm>>
      tpu.enqueue_dma source(%dma_start3A_16 : memref<10000xi32, #tpu.memory_space<hbm>>) target(%arg5 : memref<10000xi32, #tpu.memory_space<vmem>>) target_semaphore(%run_scoped3A : memref<!tpu.dma_semaphore, #tpu.memory_space<semaphore_mem>>)
      %dma_wait3A = arith.constant 0 : i32
      %dma_wait3A_17 = tpu.memref_slice %arg2[%add3A, %dma_wait3A] : memref<32x10000xi32, #tpu.memory_space<hbm>> -> memref<1x10000xi32, #tpu.memory_space<hbm>>
      %dma_wait3A_18 = tpu.memref_squeeze %dma_wait3A_17 : memref<1x10000xi32, #tpu.memory_space<hbm>> -> memref<10000xi32, #tpu.memory_space<hbm>>
      %dma_wait3A_19 = arith.constant 0 : i32
      %dma_wait3A_20 = tpu.memref_slice %arg2[%add3A, %dma_wait3A_19] : memref<32x10000xi32, #tpu.memory_space<hbm>> -> memref<1x10000xi32, #tpu.memory_space<hbm>>
      %dma_wait3A_21 = tpu.memref_squeeze %dma_wait3A_20 : memref<1x10000xi32, #tpu.memory_space<hbm>> -> memref<10000xi32, #tpu.memory_space<hbm>>
      tpu.wait_dma2 semaphore(%run_scoped3A : memref<!tpu.dma_semaphore, #tpu.memory_space<semaphore_mem>>) src(%dma_wait3A_21 : memref<10000xi32, #tpu.memory_space<hbm>>) dst(%arg5 : memref<10000xi32, #tpu.memory_space<vmem>>)
      tpu.yield
    }) : () -> ()
    "tpu.region"() ({
      %run_scoped3A = tpu.sem_alloc : memref<!tpu.dma_semaphore, #tpu.memory_space<semaphore_mem>>
      %dma_start3A = arith.constant 0 : i32
      %dma_start3A_12 = tpu.memref_slice %arg3[%add3A, %dma_start3A] : memref<32x10000xf32, #tpu.memory_space<hbm>> -> memref<1x10000xf32, #tpu.memory_space<hbm>>
      %dma_start3A_13 = tpu.memref_squeeze %dma_start3A_12 : memref<1x10000xf32, #tpu.memory_space<hbm>> -> memref<10000xf32, #tpu.memory_space<hbm>>
      %dma_start3A_14 = arith.constant 0 : i32
      %dma_start3A_15 = tpu.memref_slice %arg3[%add3A, %dma_start3A_14] : memref<32x10000xf32, #tpu.memory_space<hbm>> -> memref<1x10000xf32, #tpu.memory_space<hbm>>
      %dma_start3A_16 = tpu.memref_squeeze %dma_start3A_15 : memref<1x10000xf32, #tpu.memory_space<hbm>> -> memref<10000xf32, #tpu.memory_space<hbm>>
      tpu.enqueue_dma source(%dma_start3A_16 : memref<10000xf32, #tpu.memory_space<hbm>>) target(%arg6 : memref<10000xf32, #tpu.memory_space<vmem>>) target_semaphore(%run_scoped3A : memref<!tpu.dma_semaphore, #tpu.memory_space<semaphore_mem>>)
      %dma_wait3A = arith.constant 0 : i32
      %dma_wait3A_17 = tpu.memref_slice %arg3[%add3A, %dma_wait3A] : memref<32x10000xf32, #tpu.memory_space<hbm>> -> memref<1x10000xf32, #tpu.memory_space<hbm>>
      %dma_wait3A_18 = tpu.memref_squeeze %dma_wait3A_17 : memref<1x10000xf32, #tpu.memory_space<hbm>> -> memref<10000xf32, #tpu.memory_space<hbm>>
      %dma_wait3A_19 = arith.constant 0 : i32
      %dma_wait3A_20 = tpu.memref_slice %arg3[%add3A, %dma_wait3A_19] : memref<32x10000xf32, #tpu.memory_space<hbm>> -> memref<1x10000xf32, #tpu.memory_space<hbm>>
      %dma_wait3A_21 = tpu.memref_squeeze %dma_wait3A_20 : memref<1x10000xf32, #tpu.memory_space<hbm>> -> memref<10000xf32, #tpu.memory_space<hbm>>
      tpu.wait_dma2 semaphore(%run_scoped3A : memref<!tpu.dma_semaphore, #tpu.memory_space<semaphore_mem>>) src(%dma_wait3A_21 : memref<10000xf32, #tpu.memory_space<hbm>>) dst(%arg6 : memref<10000xf32, #tpu.memory_space<vmem>>)
      tpu.yield
    }) : () -> ()
    %scan3A = arith.constant 0 : i32
    %scan3A_1 = arith.constant 0 : i32
    %scan3A_2 = arith.constant 625 : i32
    %scan3A_3 = arith.addi %scan3A_1, %scan3A_2 : i32
    %scan3A_4 = arith.constant 1 : i32
    scf.for %scan3A_12 = %scan3A_1 to %scan3A_3 step %scan3A_4  : i32 {
      %broadcast_in_dim3A = arith.constant 0.000000e+00 : f32
      %broadcast_in_dim3A_13 = vector.broadcast %broadcast_in_dim3A : f32 to vector<16xf32>
      %mul3A_14 = arith.constant 16 : i32
      %mul3A_15 = arith.muli %scan3A_12, %mul3A_14 : i32
      %swap3A = arith.index_cast %mul3A_15 : i32 to index
      %swap3A_16 = tpu.vector_load %arg7[%swap3A] {strides = array<i32>} : memref<10000xf32, #tpu.memory_space<vmem>>, vector<16xf32>,
      tpu.vector_store %arg7[%swap3A], %broadcast_in_dim3A_13 {strides = array<i32>} : memref<10000xf32, #tpu.memory_space<vmem>>, vector<16xf32>,
    }
    %scan3A_5 = arith.constant 625 : i32
    %scan3A_6 = arith.constant 0 : i32
    %scan3A_7 = arith.constant 0 : i32
    %scan3A_8 = arith.constant 625 : i32
    %scan3A_9 = arith.addi %scan3A_7, %scan3A_8 : i32
    %scan3A_10 = arith.constant 1 : i32
    scf.for %scan3A_12 = %scan3A_7 to %scan3A_9 step %scan3A_10  : i32 {
      %mul3A_13 = arith.constant 16 : i32
      %mul3A_14 = arith.muli %scan3A_12, %mul3A_13 : i32
      %get3A = arith.index_cast %mul3A_14 : i32 to index
      %get3A_15 = tpu.vector_load %arg5[%get3A] {strides = array<i32>} : memref<10000xi32, #tpu.memory_space<vmem>>, vector<16xi32>,
      %mul3A_16 = arith.constant 16 : i32
      %mul3A_17 = arith.muli %scan3A_12, %mul3A_16 : i32
      %get3A_18 = arith.index_cast %mul3A_17 : i32 to index
      %get3A_19 = tpu.vector_load %arg6[%get3A_18] {strides = array<i32>} : memref<10000xf32, #tpu.memory_space<vmem>>, vector<16xf32>,
      tpu.vector_store_idx %arg7[%get3A_15], %get3A_19 {add = true} : memref<10000xf32, #tpu.memory_space<vmem>>[vector<16xi32>], vector<16xf32>,
    }
    %scan3A_11 = arith.constant 625 : i32
    "tpu.region"() ({
      %run_scoped3A = tpu.sem_alloc : memref<!tpu.dma_semaphore, #tpu.memory_space<semaphore_mem>>
      %dma_start3A = arith.constant 0 : i32
      %dma_start3A_12 = tpu.memref_slice %arg4[%add3A, %dma_start3A] : memref<32x10000xf32, #tpu.memory_space<hbm>> -> memref<1x10000xf32, #tpu.memory_space<hbm>>
      %dma_start3A_13 = tpu.memref_squeeze %dma_start3A_12 : memref<1x10000xf32, #tpu.memory_space<hbm>> -> memref<10000xf32, #tpu.memory_space<hbm>>
      %dma_start3A_14 = arith.constant 0 : i32
      %dma_start3A_15 = tpu.memref_slice %arg4[%add3A, %dma_start3A_14] : memref<32x10000xf32, #tpu.memory_space<hbm>> -> memref<1x10000xf32, #tpu.memory_space<hbm>>
      %dma_start3A_16 = tpu.memref_squeeze %dma_start3A_15 : memref<1x10000xf32, #tpu.memory_space<hbm>> -> memref<10000xf32, #tpu.memory_space<hbm>>
      tpu.enqueue_dma source(%arg7 : memref<10000xf32, #tpu.memory_space<vmem>>) target(%dma_start3A_16 : memref<10000xf32, #tpu.memory_space<hbm>>) target_semaphore(%run_scoped3A : memref<!tpu.dma_semaphore, #tpu.memory_space<semaphore_mem>>)
      %dma_wait3A = arith.constant 0 : i32
      %dma_wait3A_17 = tpu.memref_slice %arg4[%add3A, %dma_wait3A] : memref<32x10000xf32, #tpu.memory_space<hbm>> -> memref<1x10000xf32, #tpu.memory_space<hbm>>
      %dma_wait3A_18 = tpu.memref_squeeze %dma_wait3A_17 : memref<1x10000xf32, #tpu.memory_space<hbm>> -> memref<10000xf32, #tpu.memory_space<hbm>>
      %dma_wait3A_19 = arith.constant 0 : i32
      %dma_wait3A_20 = tpu.memref_slice %arg4[%add3A, %dma_wait3A_19] : memref<32x10000xf32, #tpu.memory_space<hbm>> -> memref<1x10000xf32, #tpu.memory_space<hbm>>
      %dma_wait3A_21 = tpu.memref_squeeze %dma_wait3A_20 : memref<1x10000xf32, #tpu.memory_space<hbm>> -> memref<10000xf32, #tpu.memory_space<hbm>>
      tpu.wait_dma2 semaphore(%run_scoped3A : memref<!tpu.dma_semaphore, #tpu.memory_space<semaphore_mem>>) src(%arg7 : memref<10000xf32, #tpu.memory_space<vmem>>) dst(%dma_wait3A_21 : memref<10000xf32, #tpu.memory_space<hbm>>)
      tpu.yield
    }) : () -> ()
    return
  }
}

#map = affine_map<(d0, d1) -> (0, 0)>
#map1 = affine_map<(d0, d1) -> (0, 0, 0)>
module attributes {stable_mosaic.version = 14 : i64} {
  func.func @prop_k(%arg0: i32, %arg1: i32, %arg2: memref<10000x64xf32, #tpu.memory_space<hbm>>, %arg3: memref<32x125x80xi32, #tpu.memory_space<hbm>>, %arg4: memref<32x125x80xi32, #tpu.memory_space<hbm>>, %arg5: memref<32x125x80xf32, #tpu.memory_space<hbm>>, %arg6: memref<10000x64xf32, #tpu.memory_space<hbm>>, %arg7: memref<2x10000x64xf32, #tpu.memory_space<hbm>>, %arg8: memref<125x80xi32, #tpu.memory_space<vmem>>, %arg9: memref<125x80xi32, #tpu.memory_space<vmem>>, %arg10: memref<125x80xf32, #tpu.memory_space<vmem>>, %arg11: memref<80x64xf32, #tpu.memory_space<vmem>>, %arg12: memref<10000x64xf32, #tpu.memory_space<vmem_shared>>, %arg13: memref<!tpu.dma_semaphore, #tpu.memory_space<semaphore_mem>>) attributes {dimension_semantics = [#tpu.dimension_semantics<core_parallel>, #tpu.dimension_semantics<subcore_parallel>], iteration_bounds = array<i64: 2, 16>, scalar_prefetch = 0 : i64, scratch_operands = 6 : i64, tpu.core_type = #tpu.core_type<sc_vector_subcore>, window_params = [{transform_indices = #map}, {transform_indices = #map1}, {transform_indices = #map1}, {transform_indices = #map1}, {transform_indices = #map}, {transform_indices = #map1}]} {
    %mul3A = arith.constant 2 : i32
    %mul3A_0 = arith.muli %arg1, %mul3A : i32
    %add3A = arith.addi %mul3A_0, %arg0 : i32
    %mul3A_1 = arith.constant 625 : i32
    %mul3A_2 = arith.muli %arg1, %mul3A_1 : i32
    %mul3A_3 = arith.constant 625 : i32
    %mul3A_4 = arith.muli %arg1, %mul3A_3 : i32
    "tpu.region"() ({
      %run_scoped3A = tpu.sem_alloc : memref<!tpu.dma_semaphore, #tpu.memory_space<semaphore_mem>>
      %dma_start3A = arith.constant 0 : i32
      %dma_start3A_15 = tpu.memref_slice %arg12[%mul3A_4, %dma_start3A] : memref<10000x64xf32, #tpu.memory_space<vmem_shared>> -> memref<625x64xf32, #tpu.memory_space<vmem_shared>>
      %dma_start3A_16 = arith.constant 0 : i32
      %dma_start3A_17 = tpu.memref_slice %arg6[%mul3A_2, %dma_start3A_16] : memref<10000x64xf32, #tpu.memory_space<hbm>> -> memref<625x64xf32, #tpu.memory_space<hbm>>
      tpu.enqueue_dma source(%dma_start3A_17 : memref<625x64xf32, #tpu.memory_space<hbm>>) target(%dma_start3A_15 : memref<625x64xf32, #tpu.memory_space<vmem_shared>>) target_semaphore(%run_scoped3A : memref<!tpu.dma_semaphore, #tpu.memory_space<semaphore_mem>>)
      %dma_wait3A = arith.constant 0 : i32
      %dma_wait3A_18 = tpu.memref_slice %arg12[%mul3A_4, %dma_wait3A] : memref<10000x64xf32, #tpu.memory_space<vmem_shared>> -> memref<625x64xf32, #tpu.memory_space<vmem_shared>>
      %dma_wait3A_19 = arith.constant 0 : i32
      %dma_wait3A_20 = tpu.memref_slice %arg6[%mul3A_2, %dma_wait3A_19] : memref<10000x64xf32, #tpu.memory_space<hbm>> -> memref<625x64xf32, #tpu.memory_space<hbm>>
      tpu.wait_dma2 semaphore(%run_scoped3A : memref<!tpu.dma_semaphore, #tpu.memory_space<semaphore_mem>>) src(%dma_wait3A_20 : memref<625x64xf32, #tpu.memory_space<hbm>>) dst(%dma_wait3A_18 : memref<625x64xf32, #tpu.memory_space<vmem_shared>>)
      tpu.yield
    }) : () -> ()
    "tpu.region"() ({
      %run_scoped3A = tpu.sem_alloc : memref<!tpu.dma_semaphore, #tpu.memory_space<semaphore_mem>>
      %dma_start3A = arith.constant 0 : i32
      %dma_start3A_15 = arith.constant 0 : i32
      %dma_start3A_16 = tpu.memref_slice %arg3[%add3A, %dma_start3A, %dma_start3A_15] : memref<32x125x80xi32, #tpu.memory_space<hbm>> -> memref<1x125x80xi32, #tpu.memory_space<hbm>>
      %dma_start3A_17 = tpu.memref_squeeze %dma_start3A_16 : memref<1x125x80xi32, #tpu.memory_space<hbm>> -> memref<125x80xi32, #tpu.memory_space<hbm>>
      %dma_start3A_18 = arith.constant 0 : i32
      %dma_start3A_19 = arith.constant 0 : i32
      %dma_start3A_20 = tpu.memref_slice %arg3[%add3A, %dma_start3A_18, %dma_start3A_19] : memref<32x125x80xi32, #tpu.memory_space<hbm>> -> memref<1x125x80xi32, #tpu.memory_space<hbm>>
      %dma_start3A_21 = tpu.memref_squeeze %dma_start3A_20 : memref<1x125x80xi32, #tpu.memory_space<hbm>> -> memref<125x80xi32, #tpu.memory_space<hbm>>
      tpu.enqueue_dma source(%dma_start3A_21 : memref<125x80xi32, #tpu.memory_space<hbm>>) target(%arg8 : memref<125x80xi32, #tpu.memory_space<vmem>>) target_semaphore(%run_scoped3A : memref<!tpu.dma_semaphore, #tpu.memory_space<semaphore_mem>>)
      %dma_wait3A = arith.constant 0 : i32
      %dma_wait3A_22 = arith.constant 0 : i32
      %dma_wait3A_23 = tpu.memref_slice %arg3[%add3A, %dma_wait3A, %dma_wait3A_22] : memref<32x125x80xi32, #tpu.memory_space<hbm>> -> memref<1x125x80xi32, #tpu.memory_space<hbm>>
      %dma_wait3A_24 = tpu.memref_squeeze %dma_wait3A_23 : memref<1x125x80xi32, #tpu.memory_space<hbm>> -> memref<125x80xi32, #tpu.memory_space<hbm>>
      %dma_wait3A_25 = arith.constant 0 : i32
      %dma_wait3A_26 = arith.constant 0 : i32
      %dma_wait3A_27 = tpu.memref_slice %arg3[%add3A, %dma_wait3A_25, %dma_wait3A_26] : memref<32x125x80xi32, #tpu.memory_space<hbm>> -> memref<1x125x80xi32, #tpu.memory_space<hbm>>
      %dma_wait3A_28 = tpu.memref_squeeze %dma_wait3A_27 : memref<1x125x80xi32, #tpu.memory_space<hbm>> -> memref<125x80xi32, #tpu.memory_space<hbm>>
      tpu.wait_dma2 semaphore(%run_scoped3A : memref<!tpu.dma_semaphore, #tpu.memory_space<semaphore_mem>>) src(%dma_wait3A_28 : memref<125x80xi32, #tpu.memory_space<hbm>>) dst(%arg8 : memref<125x80xi32, #tpu.memory_space<vmem>>)
      tpu.yield
    }) : () -> ()
    "tpu.region"() ({
      %run_scoped3A = tpu.sem_alloc : memref<!tpu.dma_semaphore, #tpu.memory_space<semaphore_mem>>
      %dma_start3A = arith.constant 0 : i32
      %dma_start3A_15 = arith.constant 0 : i32
      %dma_start3A_16 = tpu.memref_slice %arg4[%add3A, %dma_start3A, %dma_start3A_15] : memref<32x125x80xi32, #tpu.memory_space<hbm>> -> memref<1x125x80xi32, #tpu.memory_space<hbm>>
      %dma_start3A_17 = tpu.memref_squeeze %dma_start3A_16 : memref<1x125x80xi32, #tpu.memory_space<hbm>> -> memref<125x80xi32, #tpu.memory_space<hbm>>
      %dma_start3A_18 = arith.constant 0 : i32
      %dma_start3A_19 = arith.constant 0 : i32
      %dma_start3A_20 = tpu.memref_slice %arg4[%add3A, %dma_start3A_18, %dma_start3A_19] : memref<32x125x80xi32, #tpu.memory_space<hbm>> -> memref<1x125x80xi32, #tpu.memory_space<hbm>>
      %dma_start3A_21 = tpu.memref_squeeze %dma_start3A_20 : memref<1x125x80xi32, #tpu.memory_space<hbm>> -> memref<125x80xi32, #tpu.memory_space<hbm>>
      tpu.enqueue_dma source(%dma_start3A_21 : memref<125x80xi32, #tpu.memory_space<hbm>>) target(%arg9 : memref<125x80xi32, #tpu.memory_space<vmem>>) target_semaphore(%run_scoped3A : memref<!tpu.dma_semaphore, #tpu.memory_space<semaphore_mem>>)
      %dma_wait3A = arith.constant 0 : i32
      %dma_wait3A_22 = arith.constant 0 : i32
      %dma_wait3A_23 = tpu.memref_slice %arg4[%add3A, %dma_wait3A, %dma_wait3A_22] : memref<32x125x80xi32, #tpu.memory_space<hbm>> -> memref<1x125x80xi32, #tpu.memory_space<hbm>>
      %dma_wait3A_24 = tpu.memref_squeeze %dma_wait3A_23 : memref<1x125x80xi32, #tpu.memory_space<hbm>> -> memref<125x80xi32, #tpu.memory_space<hbm>>
      %dma_wait3A_25 = arith.constant 0 : i32
      %dma_wait3A_26 = arith.constant 0 : i32
      %dma_wait3A_27 = tpu.memref_slice %arg4[%add3A, %dma_wait3A_25, %dma_wait3A_26] : memref<32x125x80xi32, #tpu.memory_space<hbm>> -> memref<1x125x80xi32, #tpu.memory_space<hbm>>
      %dma_wait3A_28 = tpu.memref_squeeze %dma_wait3A_27 : memref<1x125x80xi32, #tpu.memory_space<hbm>> -> memref<125x80xi32, #tpu.memory_space<hbm>>
      tpu.wait_dma2 semaphore(%run_scoped3A : memref<!tpu.dma_semaphore, #tpu.memory_space<semaphore_mem>>) src(%dma_wait3A_28 : memref<125x80xi32, #tpu.memory_space<hbm>>) dst(%arg9 : memref<125x80xi32, #tpu.memory_space<vmem>>)
      tpu.yield
    }) : () -> ()
    "tpu.region"() ({
      %run_scoped3A = tpu.sem_alloc : memref<!tpu.dma_semaphore, #tpu.memory_space<semaphore_mem>>
      %dma_start3A = arith.constant 0 : i32
      %dma_start3A_15 = arith.constant 0 : i32
      %dma_start3A_16 = tpu.memref_slice %arg5[%add3A, %dma_start3A, %dma_start3A_15] : memref<32x125x80xf32, #tpu.memory_space<hbm>> -> memref<1x125x80xf32, #tpu.memory_space<hbm>>
      %dma_start3A_17 = tpu.memref_squeeze %dma_start3A_16 : memref<1x125x80xf32, #tpu.memory_space<hbm>> -> memref<125x80xf32, #tpu.memory_space<hbm>>
      %dma_start3A_18 = arith.constant 0 : i32
      %dma_start3A_19 = arith.constant 0 : i32
      %dma_start3A_20 = tpu.memref_slice %arg5[%add3A, %dma_start3A_18, %dma_start3A_19] : memref<32x125x80xf32, #tpu.memory_space<hbm>> -> memref<1x125x80xf32, #tpu.memory_space<hbm>>
      %dma_start3A_21 = tpu.memref_squeeze %dma_start3A_20 : memref<1x125x80xf32, #tpu.memory_space<hbm>> -> memref<125x80xf32, #tpu.memory_space<hbm>>
      tpu.enqueue_dma source(%dma_start3A_21 : memref<125x80xf32, #tpu.memory_space<hbm>>) target(%arg10 : memref<125x80xf32, #tpu.memory_space<vmem>>) target_semaphore(%run_scoped3A : memref<!tpu.dma_semaphore, #tpu.memory_space<semaphore_mem>>)
      %dma_wait3A = arith.constant 0 : i32
      %dma_wait3A_22 = arith.constant 0 : i32
      %dma_wait3A_23 = tpu.memref_slice %arg5[%add3A, %dma_wait3A, %dma_wait3A_22] : memref<32x125x80xf32, #tpu.memory_space<hbm>> -> memref<1x125x80xf32, #tpu.memory_space<hbm>>
      %dma_wait3A_24 = tpu.memref_squeeze %dma_wait3A_23 : memref<1x125x80xf32, #tpu.memory_space<hbm>> -> memref<125x80xf32, #tpu.memory_space<hbm>>
      %dma_wait3A_25 = arith.constant 0 : i32
      %dma_wait3A_26 = arith.constant 0 : i32
      %dma_wait3A_27 = tpu.memref_slice %arg5[%add3A, %dma_wait3A_25, %dma_wait3A_26] : memref<32x125x80xf32, #tpu.memory_space<hbm>> -> memref<1x125x80xf32, #tpu.memory_space<hbm>>
      %dma_wait3A_28 = tpu.memref_squeeze %dma_wait3A_27 : memref<1x125x80xf32, #tpu.memory_space<hbm>> -> memref<125x80xf32, #tpu.memory_space<hbm>>
      tpu.wait_dma2 semaphore(%run_scoped3A : memref<!tpu.dma_semaphore, #tpu.memory_space<semaphore_mem>>) src(%dma_wait3A_28 : memref<125x80xf32, #tpu.memory_space<hbm>>) dst(%arg10 : memref<125x80xf32, #tpu.memory_space<vmem>>)
      tpu.yield
    }) : () -> ()
    %barrier3A = arith.constant 0 : index
    tpu.barrier barrier_id(%barrier3A)
    %scan3A = arith.constant 0 : i32
    %scan3A_5 = arith.constant 0 : i32
    %scan3A_6 = arith.constant 125 : i32
    %scan3A_7 = arith.addi %scan3A_5, %scan3A_6 : i32
    %scan3A_8 = arith.constant 1 : i32
    scf.for %scan3A_15 = %scan3A_5 to %scan3A_7 step %scan3A_8  : i32 {
      %dma_start3A = arith.constant 0 : i32
      %dma_start3A_16 = tpu.memref_slice %arg8[%scan3A_15, %dma_start3A] : memref<125x80xi32, #tpu.memory_space<vmem>> -> memref<1x80xi32, #tpu.memory_space<vmem>>
      %dma_start3A_17 = tpu.memref_squeeze %dma_start3A_16 : memref<1x80xi32, #tpu.memory_space<vmem>> -> memref<80xi32, #tpu.memory_space<vmem>>
      %dma_start3A_18 = arith.constant 0 : i32
      %dma_start3A_19 = arith.constant 0 : i32
      %dma_start3A_20 = tpu.memref_slice %arg2[%dma_start3A_18, %dma_start3A_19] : memref<10000x64xf32, #tpu.memory_space<hbm>> -> memref<10000x64xf32, #tpu.memory_space<hbm>>
      tpu.enqueue_indirect_dma source(%dma_start3A_20 : memref<10000x64xf32, #tpu.memory_space<hbm>>) target(%arg11 : memref<80x64xf32, #tpu.memory_space<vmem>>) offsets(%dma_start3A_17 : memref<80xi32, #tpu.memory_space<vmem>>) semaphore(%arg13 : memref<!tpu.dma_semaphore, #tpu.memory_space<semaphore_mem>>)
      %dma_wait3A = arith.constant 0 : i32
      %dma_wait3A_21 = tpu.memref_slice %arg8[%scan3A_15, %dma_wait3A] : memref<125x80xi32, #tpu.memory_space<vmem>> -> memref<1x80xi32, #tpu.memory_space<vmem>>
      %dma_wait3A_22 = tpu.memref_squeeze %dma_wait3A_21 : memref<1x80xi32, #tpu.memory_space<vmem>> -> memref<80xi32, #tpu.memory_space<vmem>>
      %dma_wait3A_23 = arith.constant 0 : i32
      %dma_wait3A_24 = arith.constant 0 : i32
      %dma_wait3A_25 = tpu.memref_slice %arg2[%dma_wait3A_23, %dma_wait3A_24] : memref<10000x64xf32, #tpu.memory_space<hbm>> -> memref<10000x64xf32, #tpu.memory_space<hbm>>
      tpu.wait_indirect_dma semaphore(%arg13 : memref<!tpu.dma_semaphore, #tpu.memory_space<semaphore_mem>>) src(%dma_wait3A_25 : memref<10000x64xf32, #tpu.memory_space<hbm>>) dst(%arg11 : memref<80x64xf32, #tpu.memory_space<vmem>>)
      %broadcast_in_dim3A = vector.broadcast %scan3A_15 : i32 to vector<16xi32>
      %scan3A_26 = arith.constant 0 : i32
      %scan3A_27 = arith.constant 0 : i32
      %scan3A_28 = arith.constant 80 : i32
      %scan3A_29 = arith.addi %scan3A_27, %scan3A_28 : i32
      %scan3A_30 = arith.constant 1 : i32
      scf.for %scan3A_32 = %scan3A_27 to %scan3A_29 step %scan3A_30  : i32 {
        %broadcast_in_dim3A_33 = vector.broadcast %scan3A_32 : i32 to vector<16xi32>
        %gather3A = tpu.vector_load_idx %arg10[%broadcast_in_dim3A, %broadcast_in_dim3A_33] : memref<125x80xf32, #tpu.memory_space<vmem>>[vector<16xi32>, vector<16xi32>], vector<16xf32>,
        %get3A = arith.index_cast %scan3A_32 : i32 to index
        %get3A_34 = arith.constant 0 : index
        %get3A_35 = tpu.vector_load %arg11[%get3A, %get3A_34] {strides = array<i32>} : memref<80x64xf32, #tpu.memory_space<vmem>>, vector<16xf32>,
        %mul3A_36 = arith.mulf %get3A_35, %gather3A : vector<16xf32>
        %swap3A = arith.index_cast %scan3A_32 : i32 to index
        %swap3A_37 = arith.constant 0 : index
        %swap3A_38 = tpu.vector_load %arg11[%swap3A, %swap3A_37] {strides = array<i32>} : memref<80x64xf32, #tpu.memory_space<vmem>>, vector<16xf32>,
        tpu.vector_store %arg11[%swap3A, %swap3A_37], %mul3A_36 {strides = array<i32>} : memref<80x64xf32, #tpu.memory_space<vmem>>, vector<16xf32>,
        %get3A_39 = arith.index_cast %scan3A_32 : i32 to index
        %get3A_40 = arith.constant 16 : index
        %get3A_41 = tpu.vector_load %arg11[%get3A_39, %get3A_40] {strides = array<i32>} : memref<80x64xf32, #tpu.memory_space<vmem>>, vector<16xf32>,
        %mul3A_42 = arith.mulf %get3A_41, %gather3A : vector<16xf32>
        %swap3A_43 = arith.index_cast %scan3A_32 : i32 to index
        %swap3A_44 = arith.constant 16 : index
        %swap3A_45 = tpu.vector_load %arg11[%swap3A_43, %swap3A_44] {strides = array<i32>} : memref<80x64xf32, #tpu.memory_space<vmem>>, vector<16xf32>,
        tpu.vector_store %arg11[%swap3A_43, %swap3A_44], %mul3A_42 {strides = array<i32>} : memref<80x64xf32, #tpu.memory_space<vmem>>, vector<16xf32>,
        %get3A_46 = arith.index_cast %scan3A_32 : i32 to index
        %get3A_47 = arith.constant 32 : index
        %get3A_48 = tpu.vector_load %arg11[%get3A_46, %get3A_47] {strides = array<i32>} : memref<80x64xf32, #tpu.memory_space<vmem>>, vector<16xf32>,
        %mul3A_49 = arith.mulf %get3A_48, %gather3A : vector<16xf32>
        %swap3A_50 = arith.index_cast %scan3A_32 : i32 to index
        %swap3A_51 = arith.constant 32 : index
        %swap3A_52 = tpu.vector_load %arg11[%swap3A_50, %swap3A_51] {strides = array<i32>} : memref<80x64xf32, #tpu.memory_space<vmem>>, vector<16xf32>,
        tpu.vector_store %arg11[%swap3A_50, %swap3A_51], %mul3A_49 {strides = array<i32>} : memref<80x64xf32, #tpu.memory_space<vmem>>, vector<16xf32>,
        %get3A_53 = arith.index_cast %scan3A_32 : i32 to index
        %get3A_54 = arith.constant 48 : index
        %get3A_55 = tpu.vector_load %arg11[%get3A_53, %get3A_54] {strides = array<i32>} : memref<80x64xf32, #tpu.memory_space<vmem>>, vector<16xf32>,
        %mul3A_56 = arith.mulf %get3A_55, %gather3A : vector<16xf32>
        %swap3A_57 = arith.index_cast %scan3A_32 : i32 to index
        %swap3A_58 = arith.constant 48 : index
        %swap3A_59 = tpu.vector_load %arg11[%swap3A_57, %swap3A_58] {strides = array<i32>} : memref<80x64xf32, #tpu.memory_space<vmem>>, vector<16xf32>,
        tpu.vector_store %arg11[%swap3A_57, %swap3A_58], %mul3A_56 {strides = array<i32>} : memref<80x64xf32, #tpu.memory_space<vmem>>, vector<16xf32>,
      }
      %scan3A_31 = arith.constant 80 : i32
      "tpu.region"() ({
        %run_scoped3A = tpu.sem_alloc : memref<!tpu.dma_semaphore, #tpu.memory_space<semaphore_mem>>
        %dma_start3A_32 = arith.constant 0 : i32
        %dma_start3A_33 = tpu.memref_slice %arg9[%scan3A_15, %dma_start3A_32] : memref<125x80xi32, #tpu.memory_space<vmem>> -> memref<1x80xi32, #tpu.memory_space<vmem>>
        %dma_start3A_34 = tpu.memref_squeeze %dma_start3A_33 : memref<1x80xi32, #tpu.memory_space<vmem>> -> memref<80xi32, #tpu.memory_space<vmem>>
        %dma_start3A_35 = arith.constant 0 : i32
        %dma_start3A_36 = arith.constant 0 : i32
        %dma_start3A_37 = tpu.memref_slice %arg12[%dma_start3A_35, %dma_start3A_36] : memref<10000x64xf32, #tpu.memory_space<vmem_shared>> -> memref<10000x64xf32, #tpu.memory_space<vmem_shared>>
        tpu.enqueue_indirect_dma source(%arg11 : memref<80x64xf32, #tpu.memory_space<vmem>>) target(%dma_start3A_37 : memref<10000x64xf32, #tpu.memory_space<vmem_shared>>) offsets(%dma_start3A_34 : memref<80xi32, #tpu.memory_space<vmem>>) semaphore(%run_scoped3A : memref<!tpu.dma_semaphore, #tpu.memory_space<semaphore_mem>>) {add = true}
        %dma_wait3A_38 = arith.constant 0 : i32
        %dma_wait3A_39 = tpu.memref_slice %arg9[%scan3A_15, %dma_wait3A_38] : memref<125x80xi32, #tpu.memory_space<vmem>> -> memref<1x80xi32, #tpu.memory_space<vmem>>
        %dma_wait3A_40 = tpu.memref_squeeze %dma_wait3A_39 : memref<1x80xi32, #tpu.memory_space<vmem>> -> memref<80xi32, #tpu.memory_space<vmem>>
        %dma_wait3A_41 = arith.constant 0 : i32
        %dma_wait3A_42 = arith.constant 0 : i32
        %dma_wait3A_43 = tpu.memref_slice %arg12[%dma_wait3A_41, %dma_wait3A_42] : memref<10000x64xf32, #tpu.memory_space<vmem_shared>> -> memref<10000x64xf32, #tpu.memory_space<vmem_shared>>
        tpu.wait_indirect_dma semaphore(%run_scoped3A : memref<!tpu.dma_semaphore, #tpu.memory_space<semaphore_mem>>) src(%arg11 : memref<80x64xf32, #tpu.memory_space<vmem>>) dst(%dma_wait3A_43 : memref<10000x64xf32, #tpu.memory_space<vmem_shared>>)
        tpu.yield
      }) : () -> ()
    }
    %scan3A_9 = arith.constant 125 : i32
    %barrier3A_10 = arith.constant 0 : index
    tpu.barrier barrier_id(%barrier3A_10)
    %mul3A_11 = arith.constant 625 : i32
    %mul3A_12 = arith.muli %arg1, %mul3A_11 : i32
    %mul3A_13 = arith.constant 625 : i32
    %mul3A_14 = arith.muli %arg1, %mul3A_13 : i32
    "tpu.region"() ({
      %run_scoped3A = tpu.sem_alloc : memref<!tpu.dma_semaphore, #tpu.memory_space<semaphore_mem>>
      %dma_start3A = arith.constant 0 : i32
      %dma_start3A_15 = tpu.memref_slice %arg7[%arg0, %mul3A_14, %dma_start3A] : memref<2x10000x64xf32, #tpu.memory_space<hbm>> -> memref<1x625x64xf32, #tpu.memory_space<hbm>>
      %dma_start3A_16 = tpu.memref_squeeze %dma_start3A_15 : memref<1x625x64xf32, #tpu.memory_space<hbm>> -> memref<625x64xf32, #tpu.memory_space<hbm>>
      %dma_start3A_17 = arith.constant 0 : i32
      %dma_start3A_18 = tpu.memref_slice %arg12[%mul3A_12, %dma_start3A_17] : memref<10000x64xf32, #tpu.memory_space<vmem_shared>> -> memref<625x64xf32, #tpu.memory_space<vmem_shared>>
      tpu.enqueue_dma source(%dma_start3A_18 : memref<625x64xf32, #tpu.memory_space<vmem_shared>>) target(%dma_start3A_16 : memref<625x64xf32, #tpu.memory_space<hbm>>) target_semaphore(%run_scoped3A : memref<!tpu.dma_semaphore, #tpu.memory_space<semaphore_mem>>)
      %dma_wait3A = arith.constant 0 : i32
      %dma_wait3A_19 = tpu.memref_slice %arg7[%arg0, %mul3A_14, %dma_wait3A] : memref<2x10000x64xf32, #tpu.memory_space<hbm>> -> memref<1x625x64xf32, #tpu.memory_space<hbm>>
      %dma_wait3A_20 = tpu.memref_squeeze %dma_wait3A_19 : memref<1x625x64xf32, #tpu.memory_space<hbm>> -> memref<625x64xf32, #tpu.memory_space<hbm>>
      %dma_wait3A_21 = arith.constant 0 : i32
      %dma_wait3A_22 = tpu.memref_slice %arg12[%mul3A_12, %dma_wait3A_21] : memref<10000x64xf32, #tpu.memory_space<vmem_shared>> -> memref<625x64xf32, #tpu.memory_space<vmem_shared>>
      tpu.wait_dma2 semaphore(%run_scoped3A : memref<!tpu.dma_semaphore, #tpu.memory_space<semaphore_mem>>) src(%dma_wait3A_22 : memref<625x64xf32, #tpu.memory_space<vmem_shared>>) dst(%dma_wait3A_20 : memref<625x64xf32, #tpu.memory_space<hbm>>)
      tpu.yield
    }) : () -> ()
    return
  }
}

#map = affine_map<(d0, d1) -> (0, 0)>
#map1 = affine_map<(d0, d1) -> (0, 0, 0)>
module attributes {stable_mosaic.version = 14 : i64} {
  func.func @prop_k(%arg0: i32, %arg1: i32, %arg2: memref<10000x16xf32, #tpu.memory_space<hbm>>, %arg3: memref<32x125x80xi32, #tpu.memory_space<hbm>>, %arg4: memref<32x125x80xi32, #tpu.memory_space<hbm>>, %arg5: memref<32x125x80xf32, #tpu.memory_space<hbm>>, %arg6: memref<10000x16xf32, #tpu.memory_space<hbm>>, %arg7: memref<2x10000x16xf32, #tpu.memory_space<hbm>>, %arg8: memref<125x80xi32, #tpu.memory_space<vmem>>, %arg9: memref<125x80xi32, #tpu.memory_space<vmem>>, %arg10: memref<125x80xf32, #tpu.memory_space<vmem>>, %arg11: memref<80x16xf32, #tpu.memory_space<vmem>>, %arg12: memref<10000x16xf32, #tpu.memory_space<vmem_shared>>, %arg13: memref<!tpu.dma_semaphore, #tpu.memory_space<semaphore_mem>>) attributes {dimension_semantics = [#tpu.dimension_semantics<core_parallel>, #tpu.dimension_semantics<subcore_parallel>], iteration_bounds = array<i64: 2, 16>, scalar_prefetch = 0 : i64, scratch_operands = 6 : i64, tpu.core_type = #tpu.core_type<sc_vector_subcore>, window_params = [{transform_indices = #map}, {transform_indices = #map1}, {transform_indices = #map1}, {transform_indices = #map1}, {transform_indices = #map}, {transform_indices = #map1}]} {
    %mul3A = arith.constant 2 : i32
    %mul3A_0 = arith.muli %arg1, %mul3A : i32
    %add3A = arith.addi %mul3A_0, %arg0 : i32
    %mul3A_1 = arith.constant 625 : i32
    %mul3A_2 = arith.muli %arg1, %mul3A_1 : i32
    %mul3A_3 = arith.constant 625 : i32
    %mul3A_4 = arith.muli %arg1, %mul3A_3 : i32
    "tpu.region"() ({
      %run_scoped3A = tpu.sem_alloc : memref<!tpu.dma_semaphore, #tpu.memory_space<semaphore_mem>>
      %dma_start3A = arith.constant 0 : i32
      %dma_start3A_15 = tpu.memref_slice %arg12[%mul3A_4, %dma_start3A] : memref<10000x16xf32, #tpu.memory_space<vmem_shared>> -> memref<625x16xf32, #tpu.memory_space<vmem_shared>>
      %dma_start3A_16 = arith.constant 0 : i32
      %dma_start3A_17 = tpu.memref_slice %arg6[%mul3A_2, %dma_start3A_16] : memref<10000x16xf32, #tpu.memory_space<hbm>> -> memref<625x16xf32, #tpu.memory_space<hbm>>
      tpu.enqueue_dma source(%dma_start3A_17 : memref<625x16xf32, #tpu.memory_space<hbm>>) target(%dma_start3A_15 : memref<625x16xf32, #tpu.memory_space<vmem_shared>>) target_semaphore(%run_scoped3A : memref<!tpu.dma_semaphore, #tpu.memory_space<semaphore_mem>>)
      %dma_wait3A = arith.constant 0 : i32
      %dma_wait3A_18 = tpu.memref_slice %arg12[%mul3A_4, %dma_wait3A] : memref<10000x16xf32, #tpu.memory_space<vmem_shared>> -> memref<625x16xf32, #tpu.memory_space<vmem_shared>>
      %dma_wait3A_19 = arith.constant 0 : i32
      %dma_wait3A_20 = tpu.memref_slice %arg6[%mul3A_2, %dma_wait3A_19] : memref<10000x16xf32, #tpu.memory_space<hbm>> -> memref<625x16xf32, #tpu.memory_space<hbm>>
      tpu.wait_dma2 semaphore(%run_scoped3A : memref<!tpu.dma_semaphore, #tpu.memory_space<semaphore_mem>>) src(%dma_wait3A_20 : memref<625x16xf32, #tpu.memory_space<hbm>>) dst(%dma_wait3A_18 : memref<625x16xf32, #tpu.memory_space<vmem_shared>>)
      tpu.yield
    }) : () -> ()
    "tpu.region"() ({
      %run_scoped3A = tpu.sem_alloc : memref<!tpu.dma_semaphore, #tpu.memory_space<semaphore_mem>>
      %dma_start3A = arith.constant 0 : i32
      %dma_start3A_15 = arith.constant 0 : i32
      %dma_start3A_16 = tpu.memref_slice %arg3[%add3A, %dma_start3A, %dma_start3A_15] : memref<32x125x80xi32, #tpu.memory_space<hbm>> -> memref<1x125x80xi32, #tpu.memory_space<hbm>>
      %dma_start3A_17 = tpu.memref_squeeze %dma_start3A_16 : memref<1x125x80xi32, #tpu.memory_space<hbm>> -> memref<125x80xi32, #tpu.memory_space<hbm>>
      %dma_start3A_18 = arith.constant 0 : i32
      %dma_start3A_19 = arith.constant 0 : i32
      %dma_start3A_20 = tpu.memref_slice %arg3[%add3A, %dma_start3A_18, %dma_start3A_19] : memref<32x125x80xi32, #tpu.memory_space<hbm>> -> memref<1x125x80xi32, #tpu.memory_space<hbm>>
      %dma_start3A_21 = tpu.memref_squeeze %dma_start3A_20 : memref<1x125x80xi32, #tpu.memory_space<hbm>> -> memref<125x80xi32, #tpu.memory_space<hbm>>
      tpu.enqueue_dma source(%dma_start3A_21 : memref<125x80xi32, #tpu.memory_space<hbm>>) target(%arg8 : memref<125x80xi32, #tpu.memory_space<vmem>>) target_semaphore(%run_scoped3A : memref<!tpu.dma_semaphore, #tpu.memory_space<semaphore_mem>>)
      %dma_wait3A = arith.constant 0 : i32
      %dma_wait3A_22 = arith.constant 0 : i32
      %dma_wait3A_23 = tpu.memref_slice %arg3[%add3A, %dma_wait3A, %dma_wait3A_22] : memref<32x125x80xi32, #tpu.memory_space<hbm>> -> memref<1x125x80xi32, #tpu.memory_space<hbm>>
      %dma_wait3A_24 = tpu.memref_squeeze %dma_wait3A_23 : memref<1x125x80xi32, #tpu.memory_space<hbm>> -> memref<125x80xi32, #tpu.memory_space<hbm>>
      %dma_wait3A_25 = arith.constant 0 : i32
      %dma_wait3A_26 = arith.constant 0 : i32
      %dma_wait3A_27 = tpu.memref_slice %arg3[%add3A, %dma_wait3A_25, %dma_wait3A_26] : memref<32x125x80xi32, #tpu.memory_space<hbm>> -> memref<1x125x80xi32, #tpu.memory_space<hbm>>
      %dma_wait3A_28 = tpu.memref_squeeze %dma_wait3A_27 : memref<1x125x80xi32, #tpu.memory_space<hbm>> -> memref<125x80xi32, #tpu.memory_space<hbm>>
      tpu.wait_dma2 semaphore(%run_scoped3A : memref<!tpu.dma_semaphore, #tpu.memory_space<semaphore_mem>>) src(%dma_wait3A_28 : memref<125x80xi32, #tpu.memory_space<hbm>>) dst(%arg8 : memref<125x80xi32, #tpu.memory_space<vmem>>)
      tpu.yield
    }) : () -> ()
    "tpu.region"() ({
      %run_scoped3A = tpu.sem_alloc : memref<!tpu.dma_semaphore, #tpu.memory_space<semaphore_mem>>
      %dma_start3A = arith.constant 0 : i32
      %dma_start3A_15 = arith.constant 0 : i32
      %dma_start3A_16 = tpu.memref_slice %arg4[%add3A, %dma_start3A, %dma_start3A_15] : memref<32x125x80xi32, #tpu.memory_space<hbm>> -> memref<1x125x80xi32, #tpu.memory_space<hbm>>
      %dma_start3A_17 = tpu.memref_squeeze %dma_start3A_16 : memref<1x125x80xi32, #tpu.memory_space<hbm>> -> memref<125x80xi32, #tpu.memory_space<hbm>>
      %dma_start3A_18 = arith.constant 0 : i32
      %dma_start3A_19 = arith.constant 0 : i32
      %dma_start3A_20 = tpu.memref_slice %arg4[%add3A, %dma_start3A_18, %dma_start3A_19] : memref<32x125x80xi32, #tpu.memory_space<hbm>> -> memref<1x125x80xi32, #tpu.memory_space<hbm>>
      %dma_start3A_21 = tpu.memref_squeeze %dma_start3A_20 : memref<1x125x80xi32, #tpu.memory_space<hbm>> -> memref<125x80xi32, #tpu.memory_space<hbm>>
      tpu.enqueue_dma source(%dma_start3A_21 : memref<125x80xi32, #tpu.memory_space<hbm>>) target(%arg9 : memref<125x80xi32, #tpu.memory_space<vmem>>) target_semaphore(%run_scoped3A : memref<!tpu.dma_semaphore, #tpu.memory_space<semaphore_mem>>)
      %dma_wait3A = arith.constant 0 : i32
      %dma_wait3A_22 = arith.constant 0 : i32
      %dma_wait3A_23 = tpu.memref_slice %arg4[%add3A, %dma_wait3A, %dma_wait3A_22] : memref<32x125x80xi32, #tpu.memory_space<hbm>> -> memref<1x125x80xi32, #tpu.memory_space<hbm>>
      %dma_wait3A_24 = tpu.memref_squeeze %dma_wait3A_23 : memref<1x125x80xi32, #tpu.memory_space<hbm>> -> memref<125x80xi32, #tpu.memory_space<hbm>>
      %dma_wait3A_25 = arith.constant 0 : i32
      %dma_wait3A_26 = arith.constant 0 : i32
      %dma_wait3A_27 = tpu.memref_slice %arg4[%add3A, %dma_wait3A_25, %dma_wait3A_26] : memref<32x125x80xi32, #tpu.memory_space<hbm>> -> memref<1x125x80xi32, #tpu.memory_space<hbm>>
      %dma_wait3A_28 = tpu.memref_squeeze %dma_wait3A_27 : memref<1x125x80xi32, #tpu.memory_space<hbm>> -> memref<125x80xi32, #tpu.memory_space<hbm>>
      tpu.wait_dma2 semaphore(%run_scoped3A : memref<!tpu.dma_semaphore, #tpu.memory_space<semaphore_mem>>) src(%dma_wait3A_28 : memref<125x80xi32, #tpu.memory_space<hbm>>) dst(%arg9 : memref<125x80xi32, #tpu.memory_space<vmem>>)
      tpu.yield
    }) : () -> ()
    "tpu.region"() ({
      %run_scoped3A = tpu.sem_alloc : memref<!tpu.dma_semaphore, #tpu.memory_space<semaphore_mem>>
      %dma_start3A = arith.constant 0 : i32
      %dma_start3A_15 = arith.constant 0 : i32
      %dma_start3A_16 = tpu.memref_slice %arg5[%add3A, %dma_start3A, %dma_start3A_15] : memref<32x125x80xf32, #tpu.memory_space<hbm>> -> memref<1x125x80xf32, #tpu.memory_space<hbm>>
      %dma_start3A_17 = tpu.memref_squeeze %dma_start3A_16 : memref<1x125x80xf32, #tpu.memory_space<hbm>> -> memref<125x80xf32, #tpu.memory_space<hbm>>
      %dma_start3A_18 = arith.constant 0 : i32
      %dma_start3A_19 = arith.constant 0 : i32
      %dma_start3A_20 = tpu.memref_slice %arg5[%add3A, %dma_start3A_18, %dma_start3A_19] : memref<32x125x80xf32, #tpu.memory_space<hbm>> -> memref<1x125x80xf32, #tpu.memory_space<hbm>>
      %dma_start3A_21 = tpu.memref_squeeze %dma_start3A_20 : memref<1x125x80xf32, #tpu.memory_space<hbm>> -> memref<125x80xf32, #tpu.memory_space<hbm>>
      tpu.enqueue_dma source(%dma_start3A_21 : memref<125x80xf32, #tpu.memory_space<hbm>>) target(%arg10 : memref<125x80xf32, #tpu.memory_space<vmem>>) target_semaphore(%run_scoped3A : memref<!tpu.dma_semaphore, #tpu.memory_space<semaphore_mem>>)
      %dma_wait3A = arith.constant 0 : i32
      %dma_wait3A_22 = arith.constant 0 : i32
      %dma_wait3A_23 = tpu.memref_slice %arg5[%add3A, %dma_wait3A, %dma_wait3A_22] : memref<32x125x80xf32, #tpu.memory_space<hbm>> -> memref<1x125x80xf32, #tpu.memory_space<hbm>>
      %dma_wait3A_24 = tpu.memref_squeeze %dma_wait3A_23 : memref<1x125x80xf32, #tpu.memory_space<hbm>> -> memref<125x80xf32, #tpu.memory_space<hbm>>
      %dma_wait3A_25 = arith.constant 0 : i32
      %dma_wait3A_26 = arith.constant 0 : i32
      %dma_wait3A_27 = tpu.memref_slice %arg5[%add3A, %dma_wait3A_25, %dma_wait3A_26] : memref<32x125x80xf32, #tpu.memory_space<hbm>> -> memref<1x125x80xf32, #tpu.memory_space<hbm>>
      %dma_wait3A_28 = tpu.memref_squeeze %dma_wait3A_27 : memref<1x125x80xf32, #tpu.memory_space<hbm>> -> memref<125x80xf32, #tpu.memory_space<hbm>>
      tpu.wait_dma2 semaphore(%run_scoped3A : memref<!tpu.dma_semaphore, #tpu.memory_space<semaphore_mem>>) src(%dma_wait3A_28 : memref<125x80xf32, #tpu.memory_space<hbm>>) dst(%arg10 : memref<125x80xf32, #tpu.memory_space<vmem>>)
      tpu.yield
    }) : () -> ()
    %barrier3A = arith.constant 0 : index
    tpu.barrier barrier_id(%barrier3A)
    %scan3A = arith.constant 0 : i32
    %scan3A_5 = arith.constant 0 : i32
    %scan3A_6 = arith.constant 125 : i32
    %scan3A_7 = arith.addi %scan3A_5, %scan3A_6 : i32
    %scan3A_8 = arith.constant 1 : i32
    scf.for %scan3A_15 = %scan3A_5 to %scan3A_7 step %scan3A_8  : i32 {
      %dma_start3A = arith.constant 0 : i32
      %dma_start3A_16 = tpu.memref_slice %arg8[%scan3A_15, %dma_start3A] : memref<125x80xi32, #tpu.memory_space<vmem>> -> memref<1x80xi32, #tpu.memory_space<vmem>>
      %dma_start3A_17 = tpu.memref_squeeze %dma_start3A_16 : memref<1x80xi32, #tpu.memory_space<vmem>> -> memref<80xi32, #tpu.memory_space<vmem>>
      %dma_start3A_18 = arith.constant 0 : i32
      %dma_start3A_19 = arith.constant 0 : i32
      %dma_start3A_20 = tpu.memref_slice %arg2[%dma_start3A_18, %dma_start3A_19] : memref<10000x16xf32, #tpu.memory_space<hbm>> -> memref<10000x16xf32, #tpu.memory_space<hbm>>
      tpu.enqueue_indirect_dma source(%dma_start3A_20 : memref<10000x16xf32, #tpu.memory_space<hbm>>) target(%arg11 : memref<80x16xf32, #tpu.memory_space<vmem>>) offsets(%dma_start3A_17 : memref<80xi32, #tpu.memory_space<vmem>>) semaphore(%arg13 : memref<!tpu.dma_semaphore, #tpu.memory_space<semaphore_mem>>)
      %dma_wait3A = arith.constant 0 : i32
      %dma_wait3A_21 = tpu.memref_slice %arg8[%scan3A_15, %dma_wait3A] : memref<125x80xi32, #tpu.memory_space<vmem>> -> memref<1x80xi32, #tpu.memory_space<vmem>>
      %dma_wait3A_22 = tpu.memref_squeeze %dma_wait3A_21 : memref<1x80xi32, #tpu.memory_space<vmem>> -> memref<80xi32, #tpu.memory_space<vmem>>
      %dma_wait3A_23 = arith.constant 0 : i32
      %dma_wait3A_24 = arith.constant 0 : i32
      %dma_wait3A_25 = tpu.memref_slice %arg2[%dma_wait3A_23, %dma_wait3A_24] : memref<10000x16xf32, #tpu.memory_space<hbm>> -> memref<10000x16xf32, #tpu.memory_space<hbm>>
      tpu.wait_indirect_dma semaphore(%arg13 : memref<!tpu.dma_semaphore, #tpu.memory_space<semaphore_mem>>) src(%dma_wait3A_25 : memref<10000x16xf32, #tpu.memory_space<hbm>>) dst(%arg11 : memref<80x16xf32, #tpu.memory_space<vmem>>)
      %broadcast_in_dim3A = vector.broadcast %scan3A_15 : i32 to vector<16xi32>
      %scan3A_26 = arith.constant 0 : i32
      %scan3A_27 = arith.constant 0 : i32
      %scan3A_28 = arith.constant 80 : i32
      %scan3A_29 = arith.addi %scan3A_27, %scan3A_28 : i32
      %scan3A_30 = arith.constant 1 : i32
      scf.for %scan3A_32 = %scan3A_27 to %scan3A_29 step %scan3A_30  : i32 {
        %broadcast_in_dim3A_33 = vector.broadcast %scan3A_32 : i32 to vector<16xi32>
        %gather3A = tpu.vector_load_idx %arg10[%broadcast_in_dim3A, %broadcast_in_dim3A_33] : memref<125x80xf32, #tpu.memory_space<vmem>>[vector<16xi32>, vector<16xi32>], vector<16xf32>,
        %get3A = arith.index_cast %scan3A_32 : i32 to index
        %get3A_34 = arith.constant 0 : index
        %get3A_35 = tpu.vector_load %arg11[%get3A, %get3A_34] {strides = array<i32>} : memref<80x16xf32, #tpu.memory_space<vmem>>, vector<16xf32>,
        %mul3A_36 = arith.mulf %get3A_35, %gather3A : vector<16xf32>
        %swap3A = arith.index_cast %scan3A_32 : i32 to index
        %swap3A_37 = arith.constant 0 : index
        %swap3A_38 = tpu.vector_load %arg11[%swap3A, %swap3A_37] {strides = array<i32>} : memref<80x16xf32, #tpu.memory_space<vmem>>, vector<16xf32>,
        tpu.vector_store %arg11[%swap3A, %swap3A_37], %mul3A_36 {strides = array<i32>} : memref<80x16xf32, #tpu.memory_space<vmem>>, vector<16xf32>,
      }
      %scan3A_31 = arith.constant 80 : i32
      "tpu.region"() ({
        %run_scoped3A = tpu.sem_alloc : memref<!tpu.dma_semaphore, #tpu.memory_space<semaphore_mem>>
        %dma_start3A_32 = arith.constant 0 : i32
        %dma_start3A_33 = tpu.memref_slice %arg9[%scan3A_15, %dma_start3A_32] : memref<125x80xi32, #tpu.memory_space<vmem>> -> memref<1x80xi32, #tpu.memory_space<vmem>>
        %dma_start3A_34 = tpu.memref_squeeze %dma_start3A_33 : memref<1x80xi32, #tpu.memory_space<vmem>> -> memref<80xi32, #tpu.memory_space<vmem>>
        %dma_start3A_35 = arith.constant 0 : i32
        %dma_start3A_36 = arith.constant 0 : i32
        %dma_start3A_37 = tpu.memref_slice %arg12[%dma_start3A_35, %dma_start3A_36] : memref<10000x16xf32, #tpu.memory_space<vmem_shared>> -> memref<10000x16xf32, #tpu.memory_space<vmem_shared>>
        tpu.enqueue_indirect_dma source(%arg11 : memref<80x16xf32, #tpu.memory_space<vmem>>) target(%dma_start3A_37 : memref<10000x16xf32, #tpu.memory_space<vmem_shared>>) offsets(%dma_start3A_34 : memref<80xi32, #tpu.memory_space<vmem>>) semaphore(%run_scoped3A : memref<!tpu.dma_semaphore, #tpu.memory_space<semaphore_mem>>) {add = true}
        %dma_wait3A_38 = arith.constant 0 : i32
        %dma_wait3A_39 = tpu.memref_slice %arg9[%scan3A_15, %dma_wait3A_38] : memref<125x80xi32, #tpu.memory_space<vmem>> -> memref<1x80xi32, #tpu.memory_space<vmem>>
        %dma_wait3A_40 = tpu.memref_squeeze %dma_wait3A_39 : memref<1x80xi32, #tpu.memory_space<vmem>> -> memref<80xi32, #tpu.memory_space<vmem>>
        %dma_wait3A_41 = arith.constant 0 : i32
        %dma_wait3A_42 = arith.constant 0 : i32
        %dma_wait3A_43 = tpu.memref_slice %arg12[%dma_wait3A_41, %dma_wait3A_42] : memref<10000x16xf32, #tpu.memory_space<vmem_shared>> -> memref<10000x16xf32, #tpu.memory_space<vmem_shared>>
        tpu.wait_indirect_dma semaphore(%run_scoped3A : memref<!tpu.dma_semaphore, #tpu.memory_space<semaphore_mem>>) src(%arg11 : memref<80x16xf32, #tpu.memory_space<vmem>>) dst(%dma_wait3A_43 : memref<10000x16xf32, #tpu.memory_space<vmem_shared>>)
        tpu.yield
      }) : () -> ()
    }
    %scan3A_9 = arith.constant 125 : i32
    %barrier3A_10 = arith.constant 0 : index
    tpu.barrier barrier_id(%barrier3A_10)
    %mul3A_11 = arith.constant 625 : i32
    %mul3A_12 = arith.muli %arg1, %mul3A_11 : i32
    %mul3A_13 = arith.constant 625 : i32
    %mul3A_14 = arith.muli %arg1, %mul3A_13 : i32
    "tpu.region"() ({
      %run_scoped3A = tpu.sem_alloc : memref<!tpu.dma_semaphore, #tpu.memory_space<semaphore_mem>>
      %dma_start3A = arith.constant 0 : i32
      %dma_start3A_15 = tpu.memref_slice %arg7[%arg0, %mul3A_14, %dma_start3A] : memref<2x10000x16xf32, #tpu.memory_space<hbm>> -> memref<1x625x16xf32, #tpu.memory_space<hbm>>
      %dma_start3A_16 = tpu.memref_squeeze %dma_start3A_15 : memref<1x625x16xf32, #tpu.memory_space<hbm>> -> memref<625x16xf32, #tpu.memory_space<hbm>>
      %dma_start3A_17 = arith.constant 0 : i32
      %dma_start3A_18 = tpu.memref_slice %arg12[%mul3A_12, %dma_start3A_17] : memref<10000x16xf32, #tpu.memory_space<vmem_shared>> -> memref<625x16xf32, #tpu.memory_space<vmem_shared>>
      tpu.enqueue_dma source(%dma_start3A_18 : memref<625x16xf32, #tpu.memory_space<vmem_shared>>) target(%dma_start3A_16 : memref<625x16xf32, #tpu.memory_space<hbm>>) target_semaphore(%run_scoped3A : memref<!tpu.dma_semaphore, #tpu.memory_space<semaphore_mem>>)
      %dma_wait3A = arith.constant 0 : i32
      %dma_wait3A_19 = tpu.memref_slice %arg7[%arg0, %mul3A_14, %dma_wait3A] : memref<2x10000x16xf32, #tpu.memory_space<hbm>> -> memref<1x625x16xf32, #tpu.memory_space<hbm>>
      %dma_wait3A_20 = tpu.memref_squeeze %dma_wait3A_19 : memref<1x625x16xf32, #tpu.memory_space<hbm>> -> memref<625x16xf32, #tpu.memory_space<hbm>>
      %dma_wait3A_21 = arith.constant 0 : i32
      %dma_wait3A_22 = tpu.memref_slice %arg12[%mul3A_12, %dma_wait3A_21] : memref<10000x16xf32, #tpu.memory_space<vmem_shared>> -> memref<625x16xf32, #tpu.memory_space<vmem_shared>>
      tpu.wait_dma2 semaphore(%run_scoped3A : memref<!tpu.dma_semaphore, #tpu.memory_space<semaphore_mem>>) src(%dma_wait3A_22 : memref<625x16xf32, #tpu.memory_space<vmem_shared>>) dst(%dma_wait3A_20 : memref<625x16xf32, #tpu.memory_space<hbm>>)
      tpu.yield
    }) : () -> ()
    return
  }
}

module attributes {stable_mosaic.version = 14 : i64} {
  func.func @_tc1_body(%arg0: memref<32x10000xf32, #tpu.memory_space<vmem>>, %arg1: memref<10000x128xf32, #tpu.memory_space<vmem>>, %arg2: memref<128x16xf32, #tpu.memory_space<vmem>>, %arg3: memref<10000x16xf32, #tpu.memory_space<vmem>>, %arg4: memref<10000x1xf32, #tpu.memory_space<vmem>>) attributes {dimension_semantics = [], scalar_prefetch = 0 : i64, scratch_operands = 0 : i64, tpu.core_type = #tpu.core_type<tc>} {
    %get3A = arith.constant 0 : index
    %get3A_0 = arith.constant 0 : index
    %get3A_1 = vector.load %arg0[%get3A, %get3A_0] : memref<32x10000xf32, #tpu.memory_space<vmem>>, vector<32x10000xf32>
    %broadcast_in_dim3A = arith.constant 1.000000e+00 : f32
    %broadcast_in_dim3A_2 = vector.broadcast %broadcast_in_dim3A : f32 to vector<32x1xf32>
    %dot_general3A = arith.constant dense<0.000000e+00> : vector<10000x1xf32>
    %dot_general3A_3 = tpu.matmul %get3A_1, %broadcast_in_dim3A_2, %dot_general3A {dimension_numbers = #tpu.dot_dimension_numbers<[0], [0], [1], [1], [0, 1, 1, 1], [], []>, transpose_lhs_hint = false} : vector<32x10000xf32>, vector<32x1xf32>, vector<10000x1xf32> -> vector<10000x1xf32>
    %add3A = arith.constant 1.000000e+00 : f32
    %add3A_4 = vector.broadcast %add3A : f32 to vector<10000x1xf32>
    %add3A_5 = arith.addf %dot_general3A_3, %add3A_4 : vector<10000x1xf32>
    %rsqrt3A = math.rsqrt %add3A_5 : vector<10000x1xf32>
    %get3A_6 = arith.constant 0 : index
    %get3A_7 = arith.constant 0 : index
    %get3A_8 = vector.load %arg1[%get3A_6, %get3A_7] : memref<10000x128xf32, #tpu.memory_space<vmem>>, vector<10000x128xf32>
    %get3A_9 = arith.constant 0 : index
    %get3A_10 = arith.constant 0 : index
    %get3A_11 = vector.load %arg2[%get3A_9, %get3A_10] : memref<128x16xf32, #tpu.memory_space<vmem>>, vector<128x16xf32>
    %dot_general3A_12 = arith.constant dense<0.000000e+00> : vector<10000x16xf32>
    %dot_general3A_13 = tpu.matmul %get3A_8, %get3A_11, %dot_general3A_12 {dimension_numbers = #tpu.dot_dimension_numbers<[1], [0], [0], [1], [0, 0, 1, 1], [], []>, transpose_lhs_hint = false} : vector<10000x128xf32>, vector<128x16xf32>, vector<10000x16xf32> -> vector<10000x16xf32>
    %mul3A = vector.broadcast %rsqrt3A : vector<10000x1xf32> to vector<10000x16xf32>
    %mul3A_14 = arith.mulf %mul3A, %dot_general3A_13 : vector<10000x16xf32>
    %swap3A = arith.constant 0 : index
    %swap3A_15 = arith.constant 0 : index
    %swap3A_16 = vector.load %arg3[%swap3A, %swap3A_15] : memref<10000x16xf32, #tpu.memory_space<vmem>>, vector<10000x16xf32>
    tpu.vector_store %arg3[%swap3A, %swap3A_15], %mul3A_14 {strides = array<i32>} : memref<10000x16xf32, #tpu.memory_space<vmem>>, vector<10000x16xf32>,
    %swap3A_17 = arith.constant 0 : index
    %swap3A_18 = arith.constant 0 : index
    %swap3A_19 = vector.load %arg4[%swap3A_17, %swap3A_18] : memref<10000x1xf32, #tpu.memory_space<vmem>>, vector<10000x1xf32>
    tpu.vector_store %arg4[%swap3A_17, %swap3A_18], %rsqrt3A {strides = array<i32>} : memref<10000x1xf32, #tpu.memory_space<vmem>>, vector<10000x1xf32>,
    return
  }
}

module attributes {stable_mosaic.version = 14 : i64} {
  func.func @_tc2_body(%arg0: memref<2x10000x16xf32, #tpu.memory_space<vmem>>, %arg1: memref<10000x16xf32, #tpu.memory_space<vmem>>, %arg2: memref<10000x1xf32, #tpu.memory_space<vmem>>, %arg3: memref<1x16xf32, #tpu.memory_space<vmem>>, %arg4: memref<16x64xf32, #tpu.memory_space<vmem>>, %arg5: memref<10000x64xf32, #tpu.memory_space<vmem>>) attributes {dimension_semantics = [], scalar_prefetch = 0 : i64, scratch_operands = 0 : i64, tpu.core_type = #tpu.core_type<tc>} {
    %get3A = arith.constant 0 : index
    %get3A_0 = arith.constant 0 : index
    %get3A_1 = vector.load %arg2[%get3A, %get3A_0] : memref<10000x1xf32, #tpu.memory_space<vmem>>, vector<10000x1xf32>
    %get3A_2 = arith.constant 0 : index
    %get3A_3 = arith.constant 0 : index
    %get3A_4 = arith.constant 0 : index
    %get3A_5 = vector.load %arg0[%get3A_2, %get3A_3, %get3A_4] : memref<2x10000x16xf32, #tpu.memory_space<vmem>>, vector<1x10000x16xf32>
    %get3A_6 = vector.shape_cast %get3A_5 : vector<1x10000x16xf32> to vector<10000x16xf32>
    %get3A_7 = arith.constant 1 : index
    %get3A_8 = arith.constant 0 : index
    %get3A_9 = arith.constant 0 : index
    %get3A_10 = vector.load %arg0[%get3A_7, %get3A_8, %get3A_9] : memref<2x10000x16xf32, #tpu.memory_space<vmem>>, vector<1x10000x16xf32>
    %get3A_11 = vector.shape_cast %get3A_10 : vector<1x10000x16xf32> to vector<10000x16xf32>
    %add3A = arith.addf %get3A_6, %get3A_11 : vector<10000x16xf32>
    %get3A_12 = arith.constant 0 : index
    %get3A_13 = arith.constant 0 : index
    %get3A_14 = vector.load %arg1[%get3A_12, %get3A_13] : memref<10000x16xf32, #tpu.memory_space<vmem>>, vector<10000x16xf32>
    %add3A_15 = arith.addf %add3A, %get3A_14 : vector<10000x16xf32>
    %mul3A = vector.broadcast %get3A_1 : vector<10000x1xf32> to vector<10000x16xf32>
    %mul3A_16 = arith.mulf %mul3A, %add3A_15 : vector<10000x16xf32>
    %get3A_17 = arith.constant 0 : index
    %get3A_18 = arith.constant 0 : index
    %get3A_19 = vector.load %arg3[%get3A_17, %get3A_18] : memref<1x16xf32, #tpu.memory_space<vmem>>, vector<1x16xf32>
    %add3A_20 = vector.broadcast %get3A_19 : vector<1x16xf32> to vector<10000x16xf32>
    %add3A_21 = arith.addf %mul3A_16, %add3A_20 : vector<10000x16xf32>
    %max3A = arith.constant 0.000000e+00 : f32
    %max3A_22 = vector.broadcast %max3A : f32 to vector<10000x16xf32>
    %max3A_23 = arith.maximumf %add3A_21, %max3A_22 : vector<10000x16xf32>
    %get3A_24 = arith.constant 0 : index
    %get3A_25 = arith.constant 0 : index
    %get3A_26 = vector.load %arg4[%get3A_24, %get3A_25] : memref<16x64xf32, #tpu.memory_space<vmem>>, vector<16x64xf32>
    %dot_general3A = arith.constant dense<0.000000e+00> : vector<10000x64xf32>
    %dot_general3A_27 = tpu.matmul %max3A_23, %get3A_26, %dot_general3A {dimension_numbers = #tpu.dot_dimension_numbers<[1], [0], [0], [1], [0, 0, 1, 1], [], []>, transpose_lhs_hint = false} : vector<10000x16xf32>, vector<16x64xf32>, vector<10000x64xf32> -> vector<10000x64xf32>
    %mul3A_28 = vector.broadcast %get3A_1 : vector<10000x1xf32> to vector<10000x64xf32>
    %mul3A_29 = arith.mulf %mul3A_28, %dot_general3A_27 : vector<10000x64xf32>
    %swap3A = arith.constant 0 : index
    %swap3A_30 = arith.constant 0 : index
    %swap3A_31 = vector.load %arg5[%swap3A, %swap3A_30] : memref<10000x64xf32, #tpu.memory_space<vmem>>, vector<10000x64xf32>
    tpu.vector_store %arg5[%swap3A, %swap3A_30], %mul3A_29 {strides = array<i32>} : memref<10000x64xf32, #tpu.memory_space<vmem>>, vector<10000x64xf32>,
    return
  }
}

module attributes {stable_mosaic.version = 14 : i64} {
  func.func @_tc3_body(%arg0: memref<2x10000x64xf32, #tpu.memory_space<vmem>>, %arg1: memref<10000x64xf32, #tpu.memory_space<vmem>>, %arg2: memref<10000x1xf32, #tpu.memory_space<vmem>>, %arg3: memref<1x64xf32, #tpu.memory_space<vmem>>, %arg4: memref<10000x64xf32, #tpu.memory_space<vmem>>) attributes {dimension_semantics = [], scalar_prefetch = 0 : i64, scratch_operands = 0 : i64, tpu.core_type = #tpu.core_type<tc>} {
    %get3A = arith.constant 0 : index
    %get3A_0 = arith.constant 0 : index
    %get3A_1 = vector.load %arg2[%get3A, %get3A_0] : memref<10000x1xf32, #tpu.memory_space<vmem>>, vector<10000x1xf32>
    %get3A_2 = arith.constant 0 : index
    %get3A_3 = arith.constant 0 : index
    %get3A_4 = arith.constant 0 : index
    %get3A_5 = vector.load %arg0[%get3A_2, %get3A_3, %get3A_4] : memref<2x10000x64xf32, #tpu.memory_space<vmem>>, vector<1x10000x64xf32>
    %get3A_6 = vector.shape_cast %get3A_5 : vector<1x10000x64xf32> to vector<10000x64xf32>
    %get3A_7 = arith.constant 1 : index
    %get3A_8 = arith.constant 0 : index
    %get3A_9 = arith.constant 0 : index
    %get3A_10 = vector.load %arg0[%get3A_7, %get3A_8, %get3A_9] : memref<2x10000x64xf32, #tpu.memory_space<vmem>>, vector<1x10000x64xf32>
    %get3A_11 = vector.shape_cast %get3A_10 : vector<1x10000x64xf32> to vector<10000x64xf32>
    %add3A = arith.addf %get3A_6, %get3A_11 : vector<10000x64xf32>
    %get3A_12 = arith.constant 0 : index
    %get3A_13 = arith.constant 0 : index
    %get3A_14 = vector.load %arg1[%get3A_12, %get3A_13] : memref<10000x64xf32, #tpu.memory_space<vmem>>, vector<10000x64xf32>
    %add3A_15 = arith.addf %add3A, %get3A_14 : vector<10000x64xf32>
    %mul3A = vector.broadcast %get3A_1 : vector<10000x1xf32> to vector<10000x64xf32>
    %mul3A_16 = arith.mulf %mul3A, %add3A_15 : vector<10000x64xf32>
    %get3A_17 = arith.constant 0 : index
    %get3A_18 = arith.constant 0 : index
    %get3A_19 = vector.load %arg3[%get3A_17, %get3A_18] : memref<1x64xf32, #tpu.memory_space<vmem>>, vector<1x64xf32>
    %add3A_20 = vector.broadcast %get3A_19 : vector<1x64xf32> to vector<10000x64xf32>
    %add3A_21 = arith.addf %mul3A_16, %add3A_20 : vector<10000x64xf32>
    %reduce_max3A = arith.constant dense<0xFF800000> : vector<10000xf32>
    %reduce_max3A_22 = vector.multi_reduction <maximumf>, %add3A_21, %reduce_max3A [1] : vector<10000x64xf32> to vector<10000xf32>
    %broadcast_in_dim3A = vector.shape_cast %reduce_max3A_22 : vector<10000xf32> to vector<10000x1xf32>
    %sub3A = vector.broadcast %broadcast_in_dim3A : vector<10000x1xf32> to vector<10000x64xf32>
    %sub3A_23 = arith.subf %add3A_21, %sub3A : vector<10000x64xf32>
    %exp3A = math.exp %sub3A_23 : vector<10000x64xf32>
    %reduce_sum3A = arith.constant dense<0.000000e+00> : vector<10000xf32>
    %reduce_sum3A_24 = vector.multi_reduction <add>, %exp3A, %reduce_sum3A [1] : vector<10000x64xf32> to vector<10000xf32>
    %broadcast_in_dim3A_25 = vector.shape_cast %reduce_sum3A_24 : vector<10000xf32> to vector<10000x1xf32>
    %log3A = math.log %broadcast_in_dim3A_25 : vector<10000x1xf32>
    %sub3A_26 = vector.broadcast %log3A : vector<10000x1xf32> to vector<10000x64xf32>
    %sub3A_27 = arith.subf %sub3A_23, %sub3A_26 : vector<10000x64xf32>
    %swap3A = arith.constant 0 : index
    %swap3A_28 = arith.constant 0 : index
    %swap3A_29 = vector.load %arg4[%swap3A, %swap3A_28] : memref<10000x64xf32, #tpu.memory_space<vmem>>, vector<10000x64xf32>
    tpu.vector_store %arg4[%swap3A, %swap3A_28], %sub3A_27 {strides = array<i32>} : memref<10000x64xf32, #tpu.memory_space<vmem>>, vector<10000x64xf32>,
    return
  }
}

</mosaic_0001>

<sc_bundles>
// kernel: kernel.11.cloned.1.call-start
scs
__scs_entry_jumppad:
0x0: {  	(pc) =	sbr.rel $0x88, $3  }
0x1: {  	(tag) =	ssettag $0x0;
	lr =	simm.s32 $0x1  }
0x2: {  	[smem:$0x3F9A] =	sst lr;
	_ =	strace $0xD0000000  }
0x3: {  	_ = 	snop  }
0x4: {  	_ = 	snop  }
0x5: {  	_ = 	snop  }
0x6: {  	_ = 	snop  }
0x7: {  	_ = 	snop  }
__scs_overlays_trampoline_lowered:
0x8: {  	[smem:$0x3FA9] =	sst s0  }
0x9: {  	[smem:$0x3FAA] =	sst s1  }
0xa: {  	[smem:$0x3FAB] =	sst s2  }
0xb: {  	[smem:$0x3FAC] =	sst s3  }
0xc: {  	[smem:$0x3FAD] =	sst s4  }
0xd: {  	[smem:$0x3FAE] =	sst s5  }
0xe: {  	[smem:$0x3FAF] =	sst s6  }
0xf: {  	[smem:$0x3FB0] =	sst s7  }
0x10: {  	[smem:$0x3FB1] =	sst s8  }
0x11: {  	[smem:$0x3FB2] =	sst s9;
	s0 =	simm.s32 @!p0 $0x0  }
0x12: {  	s1 =	sld [smem:$0x3F98];
	s0 =	simm.s32 @p0 $0x1  }
0x13: {  	[smem:$0x3FB3] =	sst s0;
	s0 =	simm.s32 @!p1 $0x0  }
0x14: {  	s2 =	sld [smem:$0x3F97];
	s0 =	simm.s32 @p1 $0x1  }
0x15: {  	[smem:$0x3FB4] =	sst s0;
	s0 =	simm.s32 @!p2 $0x0  }
0x16: {  	s3 =	sld [smem:$0x3FDB];
	s0 =	simm.s32 @p2 $0x1  }
0x17: {  	s4 =	simm.s32 $0x1BF5;
	[smem:$0x3FB6] =	sst s0  }
0x18: {  	s0 =	sld [smem:$0x3F99];
	_ =	swait.ge [sflag:s4], $0x0  }
0x19: {  	s7 =	sld [smem:$0x3F9A]  }
0x1a: {  	s8 =	sadd.s32 $0xFFFFE003, lr  }
0x1b: {  	s9 =	sadd.s32 $0xFFFFFEF7, lr;
	s5 =	simm.s32 $0xFFFFFFFF;
	p2 =	slt.u32 s8, $0xFFFFF086  }
0x1c: {  	p1 =	slt.u32 s9, $0xF7A;
	s5 =	simm.s32 @!p2 $0x0  }
0x1d: {  	s5 =	simm.s32 @p1 $0x1;
	p0 =	seq.s32 s7, s2  }
0x1e: {  	s7 =	smul.u32 @!p0 $0xF7A, s2;
	p2 =	seq.s32 @!p0 s5, $0x0  }
0x1f: {  	s9 =	smul.u32 $0xF7A, s1;
	s8 =	simm.s32 @!p0 $0x1BF5;
	p2 =	por !p2, p0  }
0x20: {  	[sflag:s8] =	ssyncset.s32 @!p0 $0xFFFFF086;
	s6 =	sadd.s32 @!p0 s3, s7;
	s7 =	simm.s32 @!p0 $0x108  }
0x21: {  	s3 =	sadd.s32 s3, s9;
	s6 =	sadd.s32 @!p0 $0x88, s6;
	s7 =	simm.s32 @p2 $0x1082  }
0x22: {  	[simem:s7], [sflag:s8] =	dma.local @!p0 [hbm:s6], $0xF7A  }
0x23: {  	s9 =	sor.u32 $0xD0000000, s2;
	s6 =	simm.s32 $0x108;
	_ =	swait.ge @!p0 [sflag:s8], $0x0  }
0x24: {  	s3 =	sadd.s32 $0x88, s3;
	s6 =	simm.s32 @!p1 $0x1082;
	[sflag:s4] =	ssyncset.s32 $0xFFFFF086  }
0x25: {  	[simem:s6], [sflag:s4] =	dma.local [hbm:s3], $0xF7A  }
0x26: {  	[smem:$0x3F9A] =	sst s1;
	(tag) =	ssettag s2;
	_ =	strace s9  }
0x27: {  	s1 =	sld [smem:$0x3FAA]  }
0x28: {  	s2 =	sld [smem:$0x3FAB]  }
0x29: {  	s4 =	sld [smem:$0x3FAD]  }
0x2a: {  	p0 =	seq.s32 s5, $0x0;
	s5 =	sld [smem:$0x3FAE]  }
0x2b: {  	s6 =	sld [smem:$0x3FAF]  }
0x2c: {  	s7 =	sld [smem:$0x3FB0]  }
0x2d: {  	s3 =	simm.s32 $0x108;
	s8 =	sld [smem:$0x3FB1]  }
0x2e: {  	s3 =	simm.s32 @!p0 $0x1082;
	s9 =	sld [smem:$0x3FB2]  }
0x2f: {  	lr =	sadd.s32 s0, s3;
	s0 =	sld [smem:$0x3FA9]  }
0x30: {  	s3 =	sld [smem:$0x3FAC]  }
0x31: {  	[smem:$0x3FB5] =	sst s10  }
0x32: {  	s10 =	sld [smem:$0x3FB3];
	_ =	sdelay $0x3  }
0x33: {  	p0 =	seq.s32 s10, $0x1;
	s10 =	sld [smem:$0x3FB5];
	_ =	sdelay $0x3  }
0x34: {  	[smem:$0x3FB5] =	sst s10  }
0x35: {  	s10 =	sld [smem:$0x3FB4];
	_ =	sdelay $0x3  }
0x36: {  	p1 =	seq.s32 s10, $0x1;
	s10 =	sld [smem:$0x3FB5];
	_ =	sdelay $0x3  }
0x37: {  	[smem:$0x3FB5] =	sst s10  }
0x38: {  	s10 =	sld [smem:$0x3FB6]  }
0x39: {  	_ = 	snop;
	(pc) =	sbr.ind lr, $3  }
0x3a: {  	_ = 	snop  }
0x3b: {  	_ = 	snop  }
0x3c: {  	p2 =	seq.s32 s10, $0x1;
	s10 =	sld [smem:$0x3FB5]  }
0x3d: {  	_ =	shalt  }
0x3e: {  	_ =	shalt  }
0x3f: {  	_ =	shalt  }
0x40: {  	_ =	shalt  }
0x41: {  	_ =	shalt  }
0x42: {  	_ =	shalt  }
0x43: {  	_ =	shalt  }
0x44: {  	_ =	shalt  }
0x45: {  	_ =	shalt  }
0x46: {  	_ =	shalt  }
0x47: {  	_ =	shalt  }
0x48: {  	_ =	shalt  }
0x49: {  	_ =	shalt  }
0x4a: {  	_ =	shalt  }
0x4b: {  	_ =	shalt  }
0x4c: {  	_ =	shalt  }
0x4d: {  	_ =	shalt  }
0x4e: {  	_ =	shalt  }
0x4f: {  	_ =	shalt  }
0x50: {  	_ =	shalt  }
0x51: {  	_ =	shalt  }
0x52: {  	_ =	shalt  }
0x53: {  	_ =	shalt  }
0x54: {  	_ =	shalt  }
0x55: {  	_ =	shalt  }
0x56: {  	_ =	shalt  }
0x57: {  	_ =	shalt  }
0x58: {  	_ =	shalt  }
0x59: {  	_ =	shalt  }
0x5a: {  	_ =	shalt  }
0x5b: {  	_ =	shalt  }
0x5c: {  	_ =	shalt  }
0x5d: {  	_ =	shalt  }
0x5e: {  	_ =	shalt  }
0x5f: {  	_ =	shalt  }
0x60: {  	_ =	shalt  }
0x61: {  	_ =	shalt  }
0x62: {  	_ =	shalt  }
0x63: {  	_ =	shalt  }
0x64: {  	_ =	shalt  }
0x65: {  	_ =	shalt  }
0x66: {  	_ =	shalt  }
0x67: {  	_ =	shalt  }
0x68: {  	_ =	shalt  }
0x69: {  	_ =	shalt  }
0x6a: {  	_ =	shalt  }
0x6b: {  	_ =	shalt  }
0x6c: {  	_ =	shalt  }
0x6d: {  	_ =	shalt  }
0x6e: {  	_ =	shalt  }
0x6f: {  	_ =	shalt  }
0x70: {  	_ =	shalt  }
0x71: {  	_ =	shalt  }
0x72: {  	_ =	shalt  }
0x73: {  	_ =	shalt  }
0x74: {  	_ =	shalt  }
0x75: {  	_ =	shalt  }
0x76: {  	_ =	shalt  }
0x77: {  	_ =	shalt  }
0x78: {  	_ =	shalt  }
0x79: {  	_ =	shalt  }
0x7a: {  	_ =	shalt  }
0x7b: {  	_ =	shalt  }
0x7c: {  	_ =	shalt  }
0x7d: {  	_ =	shalt  }
0x7e: {  	_ =	shalt  }
0x7f: {  	_ =	shalt  }
0x80: {  	_ =	shalt  }
0x81: {  	_ =	shalt  }
0x82: {  	_ =	shalt  }
0x83: {  	_ =	shalt  }
0x84: {  	_ =	shalt  }
0x85: {  	_ =	shalt  }
0x86: {  	_ =	shalt  }
0x87: {  	_ =	shalt  }
.Lfunc_end0:
.L_simem_size_0:
called_computation.1_lowered:
.L_overlay_start_0:
0x88: {  	s2 =	sld [smem:$0x3FD9]  }
0x89: {  	s3 =	sld [smem:$0x3FFE];
	_ =	sdelay $0x1  }
0x8a: {  	s1 =	srdreg.scid  }
0x8b: {  	s0 =	sand.u32 $0x1, s1  }
0x8c: {  	s17 =	sshll.u32 s0, $0xA;
	s2 =	sadd.s32 s3, s2  }
0x8d: {  	s2 =	sadd.s32 s2, s17  }
0x8e: {  	[smem:$0x3FC1] =	sst s2  }
0x8f: {  	_ = 	snop  }
0x90: {  	s2 =	sld [smem:$0x3FC7]  }
0x91: {  	s18 =	sld [smem:$0x3FD0];
	(tm) =	ssettm $0x1  }
0x92: {  	s4 =	sld [smem:$0x3FFB];
	_ =	sdelay $0x3  }
0x93: {  	_ =	strace s4  }
0x94: {  	s4 =	sld [smem:$0x3FFC];
	_ =	sdelay $0x3  }
0x95: {  	_ =	strace s4  }
0x96: {  	s4 =	sld [smem:$0x3FFD];
	_ =	sdelay $0x3  }
0x97: {  	_ =	strace s4  }
0x98: {  	_ =	strace $0x8FFFFFFF  }
0x99: {  	s19 =	sld [smem:$0x3FDB];
	_ =	sdelay $0x1  }
0x9a: {  	s5 =	simm.s32 $_scs_section_size  }
0x9b: {  	s6 =	simm.s32 $_size__tile_overlayer_lowered;
	s7 =	simm.s32 $_tile_overlayer_lowered  }
0x9c: {  	s22 =	simm.s32 $0x1BFF;
	s21 =	sshll.u32 s7, $0x1;
	s4 =	sadd.s32 s5, s19  }
0x9d: {  	s8 =	simm.s32 $0x0;
	s20 =	sshll.u32 s6, $0x1;
	s6 =	sadd.s32 s21, s4  }
0x9e: {  	[timem:s8], [sflag:s22] =	dma.local [hbm:s6], s20  }
0x9f: {  	_ =	swait.ge [sflag:s22], s20  }
0xa0: {  	s5 =	ssub.s32 $0x0, s20;
	[sflag:s22] =	ssyncset.done $0x0  }
0xa1: {  	[sflag:s22] =	ssyncadd.s32 s5;
	_ =	sdelay $0x1  }
0xa2: {  	s23 =	simm.s32 $0x1B8B  }
0xa3: {  	_ =	swait.ge [sflag:s23], $0x1  }
0xa4: {  	[sflag:s23] =	ssyncset.done $0x0  }
0xa5: {  	s25 =	simm.s32 $0x1B8E;
	s24 =	sld [smem:$0x3FFE];
	[sflag:s23] =	ssyncadd.s32 $0xFFFFFFFF  }
0xa6: {  	s26 =	simm.s32 $execute0_lowered;
	[smem:$0x3FD2] =	sst s25  }
0xa7: {  	s6 =	sshll.u32 s26, $0x1;
	_ =	strace $0x80000049;
	[dreg:$0x1] =	wrdreg $0xFFFFFFFF  }
0xa8: {  	s28 =	simm.s32 $_size_execute0_lowered;
	s4 =	sadd.s32 s4, s6;
	[dreg:$0x0] =	wrdreg $0x0  }
0xa9: {  	s6 =	sshll.u32 s28, $0x1;
	[dreg:$0x2] =	wrdreg s4  }
0xaa: {  	[dreg:$0x3] =	wrdreg s6  }
0xab: {  	[dreg:$0x4] =	wrdreg $0xC0  }
0xac: {  	_ =	task [dreg:s8], $0x5FFFF  }
0xad: {  	[dreg:$0x1] =	wrdreg $0xFFFFFFFF  }
0xae: {  	[dreg:$0x0] =	wrdreg $0x60  }
0xaf: {  	[dreg:$0x2] =	wrdreg s24  }
0xb0: {  	[dreg:$0x3] =	wrdreg s2  }
0xb1: {  	[dreg:$0x4] =	wrdreg s18  }
0xb2: {  	[dreg:$0x5] =	wrdreg $0x7A300  }
0xb3: {  	[dreg:$0x6] =	wrdreg $0x9  }
0xb4: {  	_ =	task.clear_ibuf [dreg:s8], $0x7FFFF;
	_ =	strace $0x90000049  }
0xb5: {  	s29 =	simm.s32 $0x9;
	_ =	strace $0x8000004B  }
0xb6: {  	_ =	swait.ge [sflag:s29], $0x1  }
0xb7: {  	[sflag:s29] =	ssyncadd.s32 $0xFFFFFFFF  }
0xb8: {  	_ =	strace $0x9000004B  }
0xb9: {  	_ =	sfence  }
0xba: {  	s30 =	sld [smem:$0x0];
	_ =	sdelay $0x2  }
0xbb: {  	s31 =	sshll.u32 s1, $0xD;
	s1 =	sshrl.u32 s1, $0x2  }
0xbc: {  	s3 =	sand.u32 $0x4000, s31;
	s1 =	sadd.s32 s1, s30  }
0xbd: {  	s0 =	sor.u32 s3, s0;
	s1 =	sshll.u32 s1, $0x11  }
0xbe: {  	s0 =	sor.u32 s1, s0  }
0xbf: {  	s0 =	sadd.s32 $0x8F2B, s0  }
0xc0: {  	[sflag:s0] =	ssyncadd.remote.s32 $0x1  }
0xc1: {  	_ =	sfence.sel $0xFFFF  }
0xc2: {  	[dreg:$0x0] =	wrdreg $0xFFFFFFFF;
	(pc) =	sbr.abs _section_cstart, $3  }
0xc3: {  	[dreg:$0x1] =	wrdreg $0xFFFFFFFF  }
0xc4: {  	_ =	task.clear_ibuf [dreg:s8], $0x2FFFF;
	_ =	strace $0x9FFFFFFF  }
0xc5: {  	(tm) =	ssettm $0x7FFFFFFF  }
tec
execute0_lowered:
.L_overlay_start_1:
0x0: {  	(tag) =	ssettag $0x1  }
0x1: {  	s5 =	rddreg [dreg:$0x0]  }
0x2: {  	s9 =	rddreg [dreg:$0x1]  }
0x3: {  	s10 =	rddreg [dreg:$0x2];
	s1 =	srdreg.scid  }
0x4: {  	s0 =	stileid.u32;
	s2 =	rddreg [dreg:$0x3]  }
0x5: {  	s3 =	simm.s32 $0x0;
	s16 =	simm.s32 $0x50;
	s17 =	simm.s32 $0x1  }
0x6: {  	s18 =	simm.s32 $0x7530;
	s6 =	sand.u32 $0x1, s1;
	s1 =	rddreg [dreg:$0x4]  }
0x7: {  	s19 =	simm.s32 $0x0;
	s4 =	sshll.u32 s0, $0x1;
	[smem:$0x7FF] =	sst s3  }
0x8: {  	s7 =	smul.u32 $0x2710, s0;
	s30 =	sshll.u32 s0, $0x6;
	s4 =	sor.u32 s6, s4  }
0x9: {  	_ =	strace $0x8000004A;
	s12 =	ssub.s32 $0x2, s6;
	s6 =	smul.u32 $0x27100, s6  }
0xa: {  	s11 =	smul.u32 $0x4E2, s4;
	s4 =	sadd.s32 $0x15200, s5;
	s14 =	sshrl.u32 s12, $0x1  }
0xb: {  	s13 =	sshrl.u32 s7, $0x3;
	s29 =	sadd.s32 s7, s2;
	s12 =	ssub.s32 s12, s14  }
0xc: {  	s15 =	sadd.s32 s7, s6;
	s6 =	sor.u32 $0x1C02, s30;
	s14 =	simm.s32 $0x2710  }
0xd: {  	s8 =	sadd.s32 s11, s5;
	s5 =	sadd.s32 s13, s5;
	s31 =	sshrl.u32 s15, $0x3  }
0xe: {  	s9 =	sadd.s32 s9, s11;
	s11 =	smax.u32 s12, $0x1;
	s12 =	sshrl.u32 s29, $0x3  }
0xf: {  	s13 =	simm.s32 $0x2;
	s15 =	simm.s32 $0x4E20;
	s5 =	sadd.s32 $0x1A200, s5  }
0x10: {  	s7 =	sadd.s32 $0x1600, s8;
	s8 =	sadd.s32 $0xB400, s8;
	s10 =	sadd.s32 s10, s31  }
.LBB2_1:
0x11: {  	[spmem:s12], [sflag:s6] =	dma.local [hbm:s5], $0x4E2  }
0x12: {  	_ =	swait.ge [sflag:s13], $0x4E2  }
0x13: {  	[sflag:s13] =	ssyncset.done $0x0  }
0x14: {  	[sflag:s13] =	ssyncadd.s32 $0xFFFFFB1E  }
0x15: {  	[tilespmem:s3], [sflag:$0x2] =	stream.linear.gather [hbm4b:s7+s3], $0x2710, $0x38;
	[tilespmem:$0xA140] =	vst v63  }
0x16: {  	_ =	swait.ge [sflag:s13], $0x2710  }
0x17: {  	[sflag:s13] =	ssyncset.done $0x0  }
0x18: {  	[sflag:s13] =	ssyncadd.s32 $0xFFFFD8F0  }
0x19: {  	[tilespmem:s14], [sflag:$0x2] =	stream.linear.gather [hbm4b:s8+s3], $0x2710, $0x38;
	[tilespmem:$0xA140] =	vst v63  }
0x1a: {  	_ =	swait.ge [sflag:s13], $0x2710  }
0x1b: {  	[sflag:s13] =	ssyncset.done $0x0  }
0x1c: {  	[sflag:s13] =	ssyncadd.s32 $0xFFFFD8F0  }
0x1d: {  	[tilespmem:s15], [sflag:$0x2] =	stream.linear.gather [hbm4b:s9+s3], $0x2710, $0x38;
	[tilespmem:$0xA140] =	vst v63  }
0x1e: {  	_ =	swait.ge [sflag:s13], $0x2710  }
0x1f: {  	[sflag:s13] =	ssyncset.done $0x0  }
0x20: {  	[sflag:s13] =	ssyncadd.s32 $0xFFFFD8F0  }
0x21: {  	s20 =	simm.s32 $0x0;
	[bflag:$0x0] =	sbarrier.arrive $0xFFFF  }
.LBB2_2:
0x22: {  	v0 =	vmov s20  }
0x23: {  	v0 =	vmul.u32 $0x50, v0  }
0x24: {  	s21 =	simm.s32 $0x0  }
0x25: {  	v1 =	vmov s21;
	v0 =	vbroadcast v0, $0x0  }
0x26: {  	s21 =	smul.u32 $0x50, s20;
	v2 =	vand.u32 $0x78, v1  }
0x27: {  	s22 =	simm.s32 $0x7530;
	v1 =	vand.u32 $0x7, v1;
	v2 =	vadd.s32 v0, v2  }
0x28: {  	[tilespmem:s22], [sflag:$0x1] =	stream.indirect.gather [hbm4b:s4+s16], $0x10, s21, s16, $0xb8;
	v1 =	vor.u32 v1, v2;
	[tilespmem:$0xA140] =	vst v63  }
0x29: {  	_ =	swait.ge [sflag:s17], $0x500  }
0x2a: {  	[sflag:s17] =	ssyncset.done $0x0  }
0x2b: {  	[sflag:s17] =	ssyncadd.s32 $0xFFFFFB00  }
0x2c: {  	s23 =	simm.s32 $0x1;
	v2 =	vld [tilespmem:s22+$0x0]  }
0x2d: {  	v3 =	vmov s23;
	s23 =	simm.s32 $0x2;
	v1 =	vld.idx.msk [tilespmem:v1+s15+$0x0], $0xffff  }
.LBB2_3:
0x2e: {  	p0 =	sne.s32 s23, $0x4F;
	v4 =	vand.u32 $0x78, v3  }
0x2f: {  	v3 =	vand.u32 $0x7, v3;
	v4 =	vadd.s32 v0, v4  }
0x30: {  	v3 =	vor.u32 v3, v4;
	_ =	sdelay $0x1  }
.Ltmp0:
0x31: {  	v1 =	vmul.f32 v2, v1;
	(pc) =	sbr.rel @p0 .LBB2_3-.Ltmp0, $4  }
0x32: {  	_ = 	snop  }
0x33: {  	[tilespmem:s22+$0x0] =	vst v1  }
0x34: {  	s22 =	sadd.s32 $0x10, s22;
	v1 =	vld.idx.msk [tilespmem:v3+s15+$0x0], $0xffff  }
0x35: {  	v3 =	vmov s23;
	s23 =	sadd.s32 $0x1, s23;
	v2 =	vld [tilespmem:s22+$0x0]  }
0x36: {  	v4 =	vand.u32 $0x78, v3  }
0x37: {  	v63 =	vand.u32 $0x7, v3;
	v0 =	vadd.s32 v0, v4  }
0x38: {  	v0 =	vor.u32 v63, v0;
	_ =	sdelay $0x1  }
0x39: {  	v1 =	vmul.f32 v2, v1;
	_ =	sdelay $0x1  }
0x3a: {  	[tilespmem:s22+$0x0] =	vst v1  }
0x3b: {  	s31 =	sadd.s32 $0x10, s22;
	v0 =	vld.idx.msk [tilespmem:v0+s15+$0x0], $0xffff  }
0x3c: {  	v1 =	vld [tilespmem:s31+$0x0];
	_ =	sdelay $0x4  }
0x3d: {  	s20 =	sadd.s32 $0x1, s20;
	v0 =	vmul.f32 v1, v0  }
0x3e: {  	p0 =	sne.s32 s20, $0x7D  }
.Ltmp1:
0x3f: {  	s21 =	sadd.s32 $0x2710, s21;
	[tilespmem:s31+$0x0] =	vst v0;
	(pc) =	sbr.rel @p0 .LBB2_2-.Ltmp1, $4  }
0x40: {  	[spmem:s2] =	stream.indirect.scatter.add.f32 [tilespmem:s18], [sflag:$0x2], $0x10, s21, s16, $0xb8;
	[tilespmem:$0xA140] =	vst v63  }
0x41: {  	_ =	swait.ge [sflag:s13], $0x500  }
0x42: {  	[sflag:s13] =	ssyncset.done $0x0  }
0x43: {  	[sflag:s13] =	ssyncadd.s32 $0xFFFFFB00  }
0x44: {  	s19 =	sadd.s32 $0x1, s19  }
0x45: {  	p0 =	sne.s32 s19, s11  }
.Ltmp2:
0x46: {  	[bflag:$0x0] =	sbarrier.arrive $0xFFFF;
	(pc) =	sbr.rel @p0 .LBB2_1-.Ltmp2, $4  }
0x47: {  	[hbm:s10], [sflag:s6] =	dma.local [spmem:s12], $0x4E2  }
0x48: {  	_ =	swait.ge [sflag:s13], $0x4E2  }
0x49: {  	[sflag:s13] =	ssyncset.done $0x0  }
0x4a: {  	[sflag:s13] =	ssyncadd.s32 $0xFFFFFB1E  }
0x4b: {  	_ =	sfence.sel $0x180000  }
0x4c: {  	[bflag:$0x0] =	sbarrier.arrive $0xFFFF  }
0x4d: {  	p0 =	sne.s32 s0, $0x0;
	_ =	strace $0x9000004A  }
0x4e: {  	s0 =	sadd.s32 @!p0 $0x100000, s1;
	[bflag:$0x2] =	sbarrier.arrive $0xFFFF  }
0x4f: {  	[sflag:s0] =	ssyncadd.tile.s32 @!p0 $0x1;
	_ =	shalt  }
.Lfunc_end2:
_tile_overlayer_lowered:
.L_overlay_start_2:
0x50: {  	(tag) =	ssettag $0x2  }
0x51: {  	s0 =	rddreg [dreg:$0x0];
	s2 =	stileid.u32  }
0x52: {  	s1 =	rddreg [dreg:$0x1];
	p0 =	sne.s32 s2, $0x0  }
0x53: {  	s3 =	rddreg [dreg:$0x2];
	[bflag:$0x3] =	sbarrier.arrive $0xFFFF;
	s2 =	simm.s32 @!p0 $0x1C02  }
0x54: {  	[timem:s3], [sflag:s2] =	dma.local @!p0 [hbm:s0], s1  }
0x55: {  	s0 =	simm.s32 @!p0 $0x2  }
0x56: {  	_ =	swait.ge @!p0 [sflag:s0], s1  }
0x57: {  	s1 =	ssub.s32 @!p0 $0x0, s1;
	[sflag:s0] =	ssyncset.done @!p0 $0x0  }
0x58: {  	[sflag:s0] =	ssyncadd.s32 @!p0 s1  }
0x59: {  	[bflag:$0x3] =	sbarrier.arrive $0xFFFF  }
0x5a: {  	_ =	shalt  }

// kernel: kernel.14.cloned.1.call-start
scs
__scs_entry_jumppad:
0x0: {  	(pc) =	sbr.rel $0x88, $3  }
0x1: {  	(tag) =	ssettag $0x0;
	lr =	simm.s32 $0x1  }
0x2: {  	[smem:$0x3F9A] =	sst lr;
	_ =	strace $0xD0000000  }
0x3: {  	_ = 	snop  }
0x4: {  	_ = 	snop  }
0x5: {  	_ = 	snop  }
0x6: {  	_ = 	snop  }
0x7: {  	_ = 	snop  }
__scs_overlays_trampoline_lowered:
0x8: {  	[smem:$0x3FA9] =	sst s0  }
0x9: {  	[smem:$0x3FAA] =	sst s1  }
0xa: {  	[smem:$0x3FAB] =	sst s2  }
0xb: {  	[smem:$0x3FAC] =	sst s3  }
0xc: {  	[smem:$0x3FAD] =	sst s4  }
0xd: {  	[smem:$0x3FAE] =	sst s5  }
0xe: {  	[smem:$0x3FAF] =	sst s6  }
0xf: {  	[smem:$0x3FB0] =	sst s7  }
0x10: {  	[smem:$0x3FB1] =	sst s8  }
0x11: {  	[smem:$0x3FB2] =	sst s9;
	s0 =	simm.s32 @!p0 $0x0  }
0x12: {  	s1 =	sld [smem:$0x3F98];
	s0 =	simm.s32 @p0 $0x1  }
0x13: {  	[smem:$0x3FB3] =	sst s0;
	s0 =	simm.s32 @!p1 $0x0  }
0x14: {  	s2 =	sld [smem:$0x3F97];
	s0 =	simm.s32 @p1 $0x1  }
0x15: {  	[smem:$0x3FB4] =	sst s0;
	s0 =	simm.s32 @!p2 $0x0  }
0x16: {  	s3 =	sld [smem:$0x3FDB];
	s0 =	simm.s32 @p2 $0x1  }
0x17: {  	s4 =	simm.s32 $0x1BF5;
	[smem:$0x3FB6] =	sst s0  }
0x18: {  	s0 =	sld [smem:$0x3F99];
	_ =	swait.ge [sflag:s4], $0x0  }
0x19: {  	s7 =	sld [smem:$0x3F9A]  }
0x1a: {  	s8 =	sadd.s32 $0xFFFFE003, lr  }
0x1b: {  	s9 =	sadd.s32 $0xFFFFFEF7, lr;
	s5 =	simm.s32 $0xFFFFFFFF;
	p2 =	slt.u32 s8, $0xFFFFF086  }
0x1c: {  	p1 =	slt.u32 s9, $0xF7A;
	s5 =	simm.s32 @!p2 $0x0  }
0x1d: {  	s5 =	simm.s32 @p1 $0x1;
	p0 =	seq.s32 s7, s2  }
0x1e: {  	s7 =	smul.u32 @!p0 $0xF7A, s2;
	p2 =	seq.s32 @!p0 s5, $0x0  }
0x1f: {  	s9 =	smul.u32 $0xF7A, s1;
	s8 =	simm.s32 @!p0 $0x1BF5;
	p2 =	por !p2, p0  }
0x20: {  	[sflag:s8] =	ssyncset.s32 @!p0 $0xFFFFF086;
	s6 =	sadd.s32 @!p0 s3, s7;
	s7 =	simm.s32 @!p0 $0x108  }
0x21: {  	s3 =	sadd.s32 s3, s9;
	s6 =	sadd.s32 @!p0 $0x88, s6;
	s7 =	simm.s32 @p2 $0x1082  }
0x22: {  	[simem:s7], [sflag:s8] =	dma.local @!p0 [hbm:s6], $0xF7A  }
0x23: {  	s9 =	sor.u32 $0xD0000000, s2;
	s6 =	simm.s32 $0x108;
	_ =	swait.ge @!p0 [sflag:s8], $0x0  }
0x24: {  	s3 =	sadd.s32 $0x88, s3;
	s6 =	simm.s32 @!p1 $0x1082;
	[sflag:s4] =	ssyncset.s32 $0xFFFFF086  }
0x25: {  	[simem:s6], [sflag:s4] =	dma.local [hbm:s3], $0xF7A  }
0x26: {  	[smem:$0x3F9A] =	sst s1;
	(tag) =	ssettag s2;
	_ =	strace s9  }
0x27: {  	s1 =	sld [smem:$0x3FAA]  }
0x28: {  	s2 =	sld [smem:$0x3FAB]  }
0x29: {  	s4 =	sld [smem:$0x3FAD]  }
0x2a: {  	p0 =	seq.s32 s5, $0x0;
	s5 =	sld [smem:$0x3FAE]  }
0x2b: {  	s6 =	sld [smem:$0x3FAF]  }
0x2c: {  	s7 =	sld [smem:$0x3FB0]  }
0x2d: {  	s3 =	simm.s32 $0x108;
	s8 =	sld [smem:$0x3FB1]  }
0x2e: {  	s3 =	simm.s32 @!p0 $0x1082;
	s9 =	sld [smem:$0x3FB2]  }
0x2f: {  	lr =	sadd.s32 s0, s3;
	s0 =	sld [smem:$0x3FA9]  }
0x30: {  	s3 =	sld [smem:$0x3FAC]  }
0x31: {  	[smem:$0x3FB5] =	sst s10  }
0x32: {  	s10 =	sld [smem:$0x3FB3];
	_ =	sdelay $0x3  }
0x33: {  	p0 =	seq.s32 s10, $0x1;
	s10 =	sld [smem:$0x3FB5];
	_ =	sdelay $0x3  }
0x34: {  	[smem:$0x3FB5] =	sst s10  }
0x35: {  	s10 =	sld [smem:$0x3FB4];
	_ =	sdelay $0x3  }
0x36: {  	p1 =	seq.s32 s10, $0x1;
	s10 =	sld [smem:$0x3FB5];
	_ =	sdelay $0x3  }
0x37: {  	[smem:$0x3FB5] =	sst s10  }
0x38: {  	s10 =	sld [smem:$0x3FB6]  }
0x39: {  	_ = 	snop;
	(pc) =	sbr.ind lr, $3  }
0x3a: {  	_ = 	snop  }
0x3b: {  	_ = 	snop  }
0x3c: {  	p2 =	seq.s32 s10, $0x1;
	s10 =	sld [smem:$0x3FB5]  }
0x3d: {  	_ =	shalt  }
0x3e: {  	_ =	shalt  }
0x3f: {  	_ =	shalt  }
0x40: {  	_ =	shalt  }
0x41: {  	_ =	shalt  }
0x42: {  	_ =	shalt  }
0x43: {  	_ =	shalt  }
0x44: {  	_ =	shalt  }
0x45: {  	_ =	shalt  }
0x46: {  	_ =	shalt  }
0x47: {  	_ =	shalt  }
0x48: {  	_ =	shalt  }
0x49: {  	_ =	shalt  }
0x4a: {  	_ =	shalt  }
0x4b: {  	_ =	shalt  }
0x4c: {  	_ =	shalt  }
0x4d: {  	_ =	shalt  }
0x4e: {  	_ =	shalt  }
0x4f: {  	_ =	shalt  }
0x50: {  	_ =	shalt  }
0x51: {  	_ =	shalt  }
0x52: {  	_ =	shalt  }
0x53: {  	_ =	shalt  }
0x54: {  	_ =	shalt  }
0x55: {  	_ =	shalt  }
0x56: {  	_ =	shalt  }
0x57: {  	_ =	shalt  }
0x58: {  	_ =	shalt  }
0x59: {  	_ =	shalt  }
0x5a: {  	_ =	shalt  }
0x5b: {  	_ =	shalt  }
0x5c: {  	_ =	shalt  }
0x5d: {  	_ =	shalt  }
0x5e: {  	_ =	shalt  }
0x5f: {  	_ =	shalt  }
0x60: {  	_ =	shalt  }
0x61: {  	_ =	shalt  }
0x62: {  	_ =	shalt  }
0x63: {  	_ =	shalt  }
0x64: {  	_ =	shalt  }
0x65: {  	_ =	shalt  }
0x66: {  	_ =	shalt  }
0x67: {  	_ =	shalt  }
0x68: {  	_ =	shalt  }
0x69: {  	_ =	shalt  }
0x6a: {  	_ =	shalt  }
0x6b: {  	_ =	shalt  }
0x6c: {  	_ =	shalt  }
0x6d: {  	_ =	shalt  }
0x6e: {  	_ =	shalt  }
0x6f: {  	_ =	shalt  }
0x70: {  	_ =	shalt  }
0x71: {  	_ =	shalt  }
0x72: {  	_ =	shalt  }
0x73: {  	_ =	shalt  }
0x74: {  	_ =	shalt  }
0x75: {  	_ =	shalt  }
0x76: {  	_ =	shalt  }
0x77: {  	_ =	shalt  }
0x78: {  	_ =	shalt  }
0x79: {  	_ =	shalt  }
0x7a: {  	_ =	shalt  }
0x7b: {  	_ =	shalt  }
0x7c: {  	_ =	shalt  }
0x7d: {  	_ =	shalt  }
0x7e: {  	_ =	shalt  }
0x7f: {  	_ =	shalt  }
0x80: {  	_ =	shalt  }
0x81: {  	_ =	shalt  }
0x82: {  	_ =	shalt  }
0x83: {  	_ =	shalt  }
0x84: {  	_ =	shalt  }
0x85: {  	_ =	shalt  }
0x86: {  	_ =	shalt  }
0x87: {  	_ =	shalt  }
.Lfunc_end0:
.L_simem_size_0:
called_computation.2_lowered:
.L_overlay_start_0:
0x88: {  	s2 =	sld [smem:$0x3FD9]  }
0x89: {  	s3 =	sld [smem:$0x3FFE];
	_ =	sdelay $0x1  }
0x8a: {  	s1 =	srdreg.scid  }
0x8b: {  	s0 =	sand.u32 $0x1, s1  }
0x8c: {  	s17 =	sshll.u32 s0, $0xA;
	s2 =	sadd.s32 s3, s2  }
0x8d: {  	s2 =	sadd.s32 s2, s17  }
0x8e: {  	[smem:$0x3FC1] =	sst s2  }
0x8f: {  	_ = 	snop  }
0x90: {  	s2 =	sld [smem:$0x3FC7]  }
0x91: {  	s18 =	sld [smem:$0x3FD0];
	(tm) =	ssettm $0x1  }
0x92: {  	s4 =	sld [smem:$0x3FFB];
	_ =	sdelay $0x3  }
0x93: {  	_ =	strace s4  }
0x94: {  	s4 =	sld [smem:$0x3FFC];
	_ =	sdelay $0x3  }
0x95: {  	_ =	strace s4  }
0x96: {  	s4 =	sld [smem:$0x3FFD];
	_ =	sdelay $0x3  }
0x97: {  	_ =	strace s4  }
0x98: {  	_ =	strace $0x8FFFFFFF  }
0x99: {  	s19 =	sld [smem:$0x3FDB];
	_ =	sdelay $0x1  }
0x9a: {  	s5 =	simm.s32 $_scs_section_size  }
0x9b: {  	s6 =	simm.s32 $_size__tile_overlayer_lowered;
	s7 =	simm.s32 $_tile_overlayer_lowered  }
0x9c: {  	s22 =	simm.s32 $0x1BFF;
	s21 =	sshll.u32 s7, $0x1;
	s4 =	sadd.s32 s5, s19  }
0x9d: {  	s8 =	simm.s32 $0x0;
	s20 =	sshll.u32 s6, $0x1;
	s6 =	sadd.s32 s21, s4  }
0x9e: {  	[timem:s8], [sflag:s22] =	dma.local [hbm:s6], s20  }
0x9f: {  	_ =	swait.ge [sflag:s22], s20  }
0xa0: {  	s5 =	ssub.s32 $0x0, s20;
	[sflag:s22] =	ssyncset.done $0x0  }
0xa1: {  	[sflag:s22] =	ssyncadd.s32 s5;
	_ =	sdelay $0x1  }
0xa2: {  	s23 =	simm.s32 $0x1B8B  }
0xa3: {  	_ =	swait.ge [sflag:s23], $0x1  }
0xa4: {  	[sflag:s23] =	ssyncset.done $0x0  }
0xa5: {  	s25 =	simm.s32 $0x1B8E;
	s24 =	sld [smem:$0x3FFE];
	[sflag:s23] =	ssyncadd.s32 $0xFFFFFFFF  }
0xa6: {  	s26 =	simm.s32 $execute0_lowered;
	[smem:$0x3FD2] =	sst s25  }
0xa7: {  	s6 =	sshll.u32 s26, $0x1;
	_ =	strace $0x8000004C;
	[dreg:$0x1] =	wrdreg $0xFFFFFFFF  }
0xa8: {  	s28 =	simm.s32 $_size_execute0_lowered;
	s4 =	sadd.s32 s4, s6;
	[dreg:$0x0] =	wrdreg $0x0  }
0xa9: {  	s6 =	sshll.u32 s28, $0x1;
	[dreg:$0x2] =	wrdreg s4  }
0xaa: {  	[dreg:$0x3] =	wrdreg s6  }
0xab: {  	[dreg:$0x4] =	wrdreg $0xC0  }
0xac: {  	_ =	task [dreg:s8], $0x5FFFF  }
0xad: {  	[dreg:$0x1] =	wrdreg $0xFFFFFFFF  }
0xae: {  	[dreg:$0x0] =	wrdreg $0x60  }
0xaf: {  	[dreg:$0x2] =	wrdreg s18  }
0xb0: {  	[dreg:$0x3] =	wrdreg s24  }
0xb1: {  	[dreg:$0x4] =	wrdreg s2  }
0xb2: {  	[dreg:$0x5] =	wrdreg $0x89300  }
0xb3: {  	[dreg:$0x6] =	wrdreg $0x9  }
0xb4: {  	_ =	task.clear_ibuf [dreg:s8], $0x7FFFF;
	_ =	strace $0x9000004C  }
0xb5: {  	s29 =	simm.s32 $0x9;
	_ =	strace $0x8000004E  }
0xb6: {  	_ =	swait.ge [sflag:s29], $0x1  }
0xb7: {  	[sflag:s29] =	ssyncadd.s32 $0xFFFFFFFF  }
0xb8: {  	_ =	strace $0x9000004E  }
0xb9: {  	_ =	sfence  }
0xba: {  	s30 =	sld [smem:$0x0];
	_ =	sdelay $0x2  }
0xbb: {  	s31 =	sshll.u32 s1, $0xD;
	s1 =	sshrl.u32 s1, $0x2  }
0xbc: {  	s3 =	sand.u32 $0x4000, s31;
	s1 =	sadd.s32 s1, s30  }
0xbd: {  	s0 =	sor.u32 s3, s0;
	s1 =	sshll.u32 s1, $0x11  }
0xbe: {  	s0 =	sor.u32 s1, s0  }
0xbf: {  	s0 =	sadd.s32 $0x8F2B, s0  }
0xc0: {  	[sflag:s0] =	ssyncadd.remote.s32 $0x1  }
0xc1: {  	_ =	sfence.sel $0xFFFF  }
0xc2: {  	[dreg:$0x0] =	wrdreg $0xFFFFFFFF;
	(pc) =	sbr.abs _section_cstart, $3  }
0xc3: {  	[dreg:$0x1] =	wrdreg $0xFFFFFFFF  }
0xc4: {  	_ =	task.clear_ibuf [dreg:s8], $0x2FFFF;
	_ =	strace $0x9FFFFFFF  }
0xc5: {  	(tm) =	ssettm $0x7FFFFFFF  }
tec
execute0_lowered:
.L_overlay_start_1:
0x0: {  	(tag) =	ssettag $0x1  }
0x1: {  	s1 =	rddreg [dreg:$0x0]  }
0x2: {  	s6 =	rddreg [dreg:$0x1]  }
0x3: {  	s2 =	srdreg.scid;
	s9 =	rddreg [dreg:$0x2]  }
0x4: {  	s0 =	stileid.u32;
	s3 =	rddreg [dreg:$0x3]  }
0x5: {  	s4 =	simm.s32 $0x0;
	s16 =	simm.s32 $0x50;
	s17 =	simm.s32 $0x7530  }
0x6: {  	s18 =	simm.s32 $0x1;
	s19 =	simm.s32 $0x0;
	s5 =	sand.u32 $0x1, s2  }
0x7: {  	s29 =	sshll.u32 s0, $0x1;
	s7 =	smul.u32 $0x9C40, s0;
	[smem:$0x7FF] =	sst s4  }
0x8: {  	s31 =	sshll.u32 s0, $0x6;
	s2 =	sor.u32 s5, s29;
	s8 =	smul.u32 $0x9C400, s5  }
0x9: {  	s5 =	ssub.s32 $0x2, s5;
	s10 =	smul.u32 $0x4E2, s2;
	s2 =	rddreg [dreg:$0x4]  }
0xa: {  	_ =	strace $0x8000004D;
	s12 =	sshrl.u32 s7, $0x3;
	s30 =	sshrl.u32 s5, $0x1  }
0xb: {  	s15 =	sadd.s32 s7, s3;
	s8 =	sadd.s32 s7, s8;
	s12 =	sadd.s32 s12, s6  }
0xc: {  	s14 =	ssub.s32 s5, s30;
	s11 =	sadd.s32 s10, s6;
	s8 =	sshrl.u32 s8, $0x3  }
0xd: {  	s5 =	sadd.s32 $0x15200, s12;
	s9 =	sadd.s32 s9, s10;
	s12 =	sshrl.u32 s15, $0x3  }
0xe: {  	s15 =	simm.s32 $0x4E20;
	s13 =	sadd.s32 s8, s6;
	s6 =	sor.u32 $0x1C02, s31  }
0xf: {  	s7 =	sadd.s32 $0x1600, s11;
	s8 =	sadd.s32 $0xB400, s11;
	s11 =	smax.u32 s14, $0x1  }
0x10: {  	s14 =	simm.s32 $0x2710;
	s10 =	sadd.s32 $0x28C00, s13;
	s13 =	simm.s32 $0x2  }
.LBB2_1:
0x11: {  	[spmem:s12], [sflag:s6] =	dma.local [hbm:s5], $0x1388  }
0x12: {  	_ =	swait.ge [sflag:s13], $0x1388  }
0x13: {  	[sflag:s13] =	ssyncset.done $0x0  }
0x14: {  	[sflag:s13] =	ssyncadd.s32 $0xFFFFEC78  }
0x15: {  	[tilespmem:s4], [sflag:$0x2] =	stream.linear.gather [hbm4b:s7+s4], $0x2710, $0x38;
	[tilespmem:$0x12570] =	vst v63  }
0x16: {  	_ =	swait.ge [sflag:s13], $0x2710  }
0x17: {  	[sflag:s13] =	ssyncset.done $0x0  }
0x18: {  	[sflag:s13] =	ssyncadd.s32 $0xFFFFD8F0  }
0x19: {  	[tilespmem:s14], [sflag:$0x2] =	stream.linear.gather [hbm4b:s8+s4], $0x2710, $0x38;
	[tilespmem:$0x12570] =	vst v63  }
0x1a: {  	_ =	swait.ge [sflag:s13], $0x2710  }
0x1b: {  	[sflag:s13] =	ssyncset.done $0x0  }
0x1c: {  	[sflag:s13] =	ssyncadd.s32 $0xFFFFD8F0  }
0x1d: {  	[tilespmem:s15], [sflag:$0x2] =	stream.linear.gather [hbm4b:s9+s4], $0x2710, $0x38;
	[tilespmem:$0x12570] =	vst v63  }
0x1e: {  	_ =	swait.ge [sflag:s13], $0x2710  }
0x1f: {  	[sflag:s13] =	ssyncset.done $0x0  }
0x20: {  	[sflag:s13] =	ssyncadd.s32 $0xFFFFD8F0  }
0x21: {  	s20 =	simm.s32 $0x0;
	[bflag:$0x0] =	sbarrier.arrive $0xFFFF  }
.LBB2_2:
0x22: {  	v0 =	vmov s20  }
0x23: {  	v0 =	vmul.u32 $0x50, v0  }
0x24: {  	s22 =	simm.s32 $0x0  }
0x25: {  	s21 =	smul.u32 $0x50, s20;
	v1 =	vmov s22;
	v0 =	vbroadcast v0, $0x0  }
0x26: {  	v2 =	vand.u32 $0x78, v1  }
0x27: {  	[tilespmem:s17], [sflag:$0x1] =	stream.indirect.gather [hbm4b:s1+s16], $0x40, s21, s16, $0xb8;
	v1 =	vand.u32 $0x7, v1;
	v2 =	vadd.s32 v0, v2;
	[tilespmem:$0x12570] =	vst v63  }
0x28: {  	_ =	swait.ge [sflag:s18], $0x1400;
	v1 =	vor.u32 v1, v2  }
0x29: {  	[sflag:s18] =	ssyncset.done $0x0  }
0x2a: {  	s22 =	simm.s32 $0x7550;
	[sflag:s18] =	ssyncadd.s32 $0xFFFFEC00  }
0x2b: {  	v3 =	vld [tilespmem:s22+$0xFFFFFFF0]  }
0x2c: {  	v4 =	vld [tilespmem:s22+$0x10]  }
0x2d: {  	v6 =	vld.idx.msk [tilespmem:v1+s15+$0x0], $0xffff  }
0x2e: {  	v1 =	vld [tilespmem:s22+$0xFFFFFFE0]  }
0x2f: {  	v7 =	vld [tilespmem:s22+$0x0]  }
0x30: {  	s23 =	simm.s32 $0x1  }
0x31: {  	v2 =	vmov s23  }
0x32: {  	v5 =	vand.u32 $0x78, v2;
	v8 =	vand.u32 $0x7, v2  }
0x33: {  	v9 =	vadd.s32 v0, v5;
	v2 =	vmul.f32 v1, v6;
	v5 =	vmul.f32 v4, v6  }
0x34: {  	s24 =	simm.s32 $0x7550;
	s23 =	simm.s32 $0x2;
	v1 =	vor.u32 v8, v9;
	v4 =	vmul.f32 v3, v6;
	v3 =	vmul.f32 v7, v6  }
.LBB2_3:
0x35: {  	p0 =	sne.s32 s23, $0x4F  }
0x36: {  	[tilespmem:s22+$0x10] =	vst v5;
	s24 =	sadd.s32 $0x40, s24;
	s25 =	smov.u32 s23;
	s23 =	sadd.s32 $0x1, s23  }
0x37: {  	[tilespmem:s22+$0xFFFFFFE0] =	vst v2  }
0x38: {  	v6 =	vld [tilespmem:s24+$0xFFFFFFF0];
	[tilespmem:s22+$0xFFFFFFF0] =	vst v4  }
0x39: {  	v4 =	vld [tilespmem:s24+$0x10];
	[tilespmem:s22+$0x0] =	vst v3;
	s22 =	smov.u32 s24  }
0x3a: {  	v3 =	vld.idx.msk [tilespmem:v1+s15+$0x0], $0xffff  }
0x3b: {  	v1 =	vld [tilespmem:s24+$0xFFFFFFE0]  }
0x3c: {  	v7 =	vld [tilespmem:s24+$0x0]  }
.Ltmp0:
0x3d: {  	(pc) =	sbr.rel @p0 .LBB2_3-.Ltmp0, $4  }
0x3e: {  	v2 =	vmov s25  }
0x3f: {  	v5 =	vand.u32 $0x78, v2;
	v8 =	vand.u32 $0x7, v2  }
0x40: {  	v9 =	vadd.s32 v0, v5;
	v5 =	vmul.f32 v4, v3;
	v2 =	vmul.f32 v1, v3  }
0x41: {  	v4 =	vmul.f32 v6, v3;
	v1 =	vor.u32 v8, v9;
	v3 =	vmul.f32 v7, v3  }
0x42: {  	[tilespmem:s22+$0x10] =	vst v5  }
0x43: {  	s23 =	sadd.s32 $0x40, s24;
	[tilespmem:s22+$0xFFFFFFE0] =	vst v2  }
0x44: {  	v0 =	vld [tilespmem:s23+$0xFFFFFFF0];
	[tilespmem:s22+$0xFFFFFFF0] =	vst v4  }
0x45: {  	v2 =	vld [tilespmem:s23+$0x10];
	[tilespmem:s22+$0x0] =	vst v3  }
0x46: {  	v1 =	vld.idx.msk [tilespmem:v1+s15+$0x0], $0xffff  }
0x47: {  	v3 =	vld [tilespmem:s23+$0xFFFFFFE0];
	_ =	sdelay $0x1  }
0x48: {  	v4 =	vld [tilespmem:s23+$0x0];
	_ =	sdelay $0x1  }
0x49: {  	v2 =	vmul.f32 v2, v1  }
0x4a: {  	v3 =	vmul.f32 v3, v1  }
0x4b: {  	v0 =	vmul.f32 v0, v1;
	[tilespmem:s23+$0x10] =	vst v2  }
0x4c: {  	s20 =	sadd.s32 $0x1, s20;
	v1 =	vmul.f32 v4, v1;
	[tilespmem:s23+$0xFFFFFFE0] =	vst v3  }
0x4d: {  	p0 =	sne.s32 s20, $0x7D;
	[tilespmem:s23+$0xFFFFFFF0] =	vst v0  }
.Ltmp1:
0x4e: {  	s21 =	sadd.s32 $0x2710, s21;
	[tilespmem:s23+$0x0] =	vst v1;
	(pc) =	sbr.rel @p0 .LBB2_2-.Ltmp1, $4  }
0x4f: {  	[spmem:s3] =	stream.indirect.scatter.add.f32 [tilespmem:s17], [sflag:$0x2], $0x40, s21, s16, $0xb8;
	[tilespmem:$0x12570] =	vst v63  }
0x50: {  	_ =	swait.ge [sflag:s13], $0x1400  }
0x51: {  	[sflag:s13] =	ssyncset.done $0x0  }
0x52: {  	[sflag:s13] =	ssyncadd.s32 $0xFFFFEC00  }
0x53: {  	s19 =	sadd.s32 $0x1, s19  }
0x54: {  	p0 =	sne.s32 s19, s11  }
.Ltmp2:
0x55: {  	[bflag:$0x0] =	sbarrier.arrive $0xFFFF;
	(pc) =	sbr.rel @p0 .LBB2_1-.Ltmp2, $4  }
0x56: {  	[hbm:s10], [sflag:s6] =	dma.local [spmem:s12], $0x1388  }
0x57: {  	_ =	swait.ge [sflag:s13], $0x1388  }
0x58: {  	[sflag:s13] =	ssyncset.done $0x0  }
0x59: {  	[sflag:s13] =	ssyncadd.s32 $0xFFFFEC78  }
0x5a: {  	_ =	sfence.sel $0x180000  }
0x5b: {  	[bflag:$0x0] =	sbarrier.arrive $0xFFFF  }
0x5c: {  	p0 =	sne.s32 s0, $0x0;
	_ =	strace $0x9000004D  }
0x5d: {  	s0 =	sadd.s32 @!p0 $0x100000, s2;
	[bflag:$0x2] =	sbarrier.arrive $0xFFFF  }
0x5e: {  	[sflag:s0] =	ssyncadd.tile.s32 @!p0 $0x1;
	_ =	shalt  }
.Lfunc_end2:
_tile_overlayer_lowered:
.L_overlay_start_2:
0x5f: {  	(tag) =	ssettag $0x2  }
0x60: {  	s0 =	rddreg [dreg:$0x0];
	s2 =	stileid.u32  }
0x61: {  	s1 =	rddreg [dreg:$0x1];
	p0 =	sne.s32 s2, $0x0  }
0x62: {  	s3 =	rddreg [dreg:$0x2];
	[bflag:$0x3] =	sbarrier.arrive $0xFFFF;
	s2 =	simm.s32 @!p0 $0x1C02  }
0x63: {  	[timem:s3], [sflag:s2] =	dma.local @!p0 [hbm:s0], s1  }
0x64: {  	s0 =	simm.s32 @!p0 $0x2  }
0x65: {  	_ =	swait.ge @!p0 [sflag:s0], s1  }
0x66: {  	s1 =	ssub.s32 @!p0 $0x0, s1;
	[sflag:s0] =	ssyncset.done @!p0 $0x0  }
0x67: {  	[sflag:s0] =	ssyncadd.s32 @!p0 s1  }
0x68: {  	[bflag:$0x3] =	sbarrier.arrive $0xFFFF  }
0x69: {  	_ =	shalt  }

// kernel: kernel.8.cloned.1.call-start
scs
__scs_entry_jumppad:
0x0: {  	(pc) =	sbr.rel $0x88, $3  }
0x1: {  	(tag) =	ssettag $0x0;
	lr =	simm.s32 $0x1  }
0x2: {  	[smem:$0x3F9A] =	sst lr;
	_ =	strace $0xD0000000  }
0x3: {  	_ = 	snop  }
0x4: {  	_ = 	snop  }
0x5: {  	_ = 	snop  }
0x6: {  	_ = 	snop  }
0x7: {  	_ = 	snop  }
__scs_overlays_trampoline_lowered:
0x8: {  	[smem:$0x3FA9] =	sst s0  }
0x9: {  	[smem:$0x3FAA] =	sst s1  }
0xa: {  	[smem:$0x3FAB] =	sst s2  }
0xb: {  	[smem:$0x3FAC] =	sst s3  }
0xc: {  	[smem:$0x3FAD] =	sst s4  }
0xd: {  	[smem:$0x3FAE] =	sst s5  }
0xe: {  	[smem:$0x3FAF] =	sst s6  }
0xf: {  	[smem:$0x3FB0] =	sst s7  }
0x10: {  	[smem:$0x3FB1] =	sst s8  }
0x11: {  	[smem:$0x3FB2] =	sst s9;
	s0 =	simm.s32 @!p0 $0x0  }
0x12: {  	s1 =	sld [smem:$0x3F98];
	s0 =	simm.s32 @p0 $0x1  }
0x13: {  	[smem:$0x3FB3] =	sst s0;
	s0 =	simm.s32 @!p1 $0x0  }
0x14: {  	s2 =	sld [smem:$0x3F97];
	s0 =	simm.s32 @p1 $0x1  }
0x15: {  	[smem:$0x3FB4] =	sst s0;
	s0 =	simm.s32 @!p2 $0x0  }
0x16: {  	s3 =	sld [smem:$0x3FDB];
	s0 =	simm.s32 @p2 $0x1  }
0x17: {  	s4 =	simm.s32 $0x1BF5;
	[smem:$0x3FB6] =	sst s0  }
0x18: {  	s0 =	sld [smem:$0x3F99];
	_ =	swait.ge [sflag:s4], $0x0  }
0x19: {  	s7 =	sld [smem:$0x3F9A]  }
0x1a: {  	s8 =	sadd.s32 $0xFFFFE003, lr  }
0x1b: {  	s9 =	sadd.s32 $0xFFFFFEF7, lr;
	s5 =	simm.s32 $0xFFFFFFFF;
	p2 =	slt.u32 s8, $0xFFFFF086  }
0x1c: {  	p1 =	slt.u32 s9, $0xF7A;
	s5 =	simm.s32 @!p2 $0x0  }
0x1d: {  	s5 =	simm.s32 @p1 $0x1;
	p0 =	seq.s32 s7, s2  }
0x1e: {  	s7 =	smul.u32 @!p0 $0xF7A, s2;
	p2 =	seq.s32 @!p0 s5, $0x0  }
0x1f: {  	s9 =	smul.u32 $0xF7A, s1;
	s8 =	simm.s32 @!p0 $0x1BF5;
	p2 =	por !p2, p0  }
0x20: {  	[sflag:s8] =	ssyncset.s32 @!p0 $0xFFFFF086;
	s6 =	sadd.s32 @!p0 s3, s7;
	s7 =	simm.s32 @!p0 $0x108  }
0x21: {  	s3 =	sadd.s32 s3, s9;
	s6 =	sadd.s32 @!p0 $0x88, s6;
	s7 =	simm.s32 @p2 $0x1082  }
0x22: {  	[simem:s7], [sflag:s8] =	dma.local @!p0 [hbm:s6], $0xF7A  }
0x23: {  	s9 =	sor.u32 $0xD0000000, s2;
	s6 =	simm.s32 $0x108;
	_ =	swait.ge @!p0 [sflag:s8], $0x0  }
0x24: {  	s3 =	sadd.s32 $0x88, s3;
	s6 =	simm.s32 @!p1 $0x1082;
	[sflag:s4] =	ssyncset.s32 $0xFFFFF086  }
0x25: {  	[simem:s6], [sflag:s4] =	dma.local [hbm:s3], $0xF7A  }
0x26: {  	[smem:$0x3F9A] =	sst s1;
	(tag) =	ssettag s2;
	_ =	strace s9  }
0x27: {  	s1 =	sld [smem:$0x3FAA]  }
0x28: {  	s2 =	sld [smem:$0x3FAB]  }
0x29: {  	s4 =	sld [smem:$0x3FAD]  }
0x2a: {  	p0 =	seq.s32 s5, $0x0;
	s5 =	sld [smem:$0x3FAE]  }
0x2b: {  	s6 =	sld [smem:$0x3FAF]  }
0x2c: {  	s7 =	sld [smem:$0x3FB0]  }
0x2d: {  	s3 =	simm.s32 $0x108;
	s8 =	sld [smem:$0x3FB1]  }
0x2e: {  	s3 =	simm.s32 @!p0 $0x1082;
	s9 =	sld [smem:$0x3FB2]  }
0x2f: {  	lr =	sadd.s32 s0, s3;
	s0 =	sld [smem:$0x3FA9]  }
0x30: {  	s3 =	sld [smem:$0x3FAC]  }
0x31: {  	[smem:$0x3FB5] =	sst s10  }
0x32: {  	s10 =	sld [smem:$0x3FB3];
	_ =	sdelay $0x3  }
0x33: {  	p0 =	seq.s32 s10, $0x1;
	s10 =	sld [smem:$0x3FB5];
	_ =	sdelay $0x3  }
0x34: {  	[smem:$0x3FB5] =	sst s10  }
0x35: {  	s10 =	sld [smem:$0x3FB4];
	_ =	sdelay $0x3  }
0x36: {  	p1 =	seq.s32 s10, $0x1;
	s10 =	sld [smem:$0x3FB5];
	_ =	sdelay $0x3  }
0x37: {  	[smem:$0x3FB5] =	sst s10  }
0x38: {  	s10 =	sld [smem:$0x3FB6]  }
0x39: {  	_ = 	snop;
	(pc) =	sbr.ind lr, $3  }
0x3a: {  	_ = 	snop  }
0x3b: {  	_ = 	snop  }
0x3c: {  	p2 =	seq.s32 s10, $0x1;
	s10 =	sld [smem:$0x3FB5]  }
0x3d: {  	_ =	shalt  }
0x3e: {  	_ =	shalt  }
0x3f: {  	_ =	shalt  }
0x40: {  	_ =	shalt  }
0x41: {  	_ =	shalt  }
0x42: {  	_ =	shalt  }
0x43: {  	_ =	shalt  }
0x44: {  	_ =	shalt  }
0x45: {  	_ =	shalt  }
0x46: {  	_ =	shalt  }
0x47: {  	_ =	shalt  }
0x48: {  	_ =	shalt  }
0x49: {  	_ =	shalt  }
0x4a: {  	_ =	shalt  }
0x4b: {  	_ =	shalt  }
0x4c: {  	_ =	shalt  }
0x4d: {  	_ =	shalt  }
0x4e: {  	_ =	shalt  }
0x4f: {  	_ =	shalt  }
0x50: {  	_ =	shalt  }
0x51: {  	_ =	shalt  }
0x52: {  	_ =	shalt  }
0x53: {  	_ =	shalt  }
0x54: {  	_ =	shalt  }
0x55: {  	_ =	shalt  }
0x56: {  	_ =	shalt  }
0x57: {  	_ =	shalt  }
0x58: {  	_ =	shalt  }
0x59: {  	_ =	shalt  }
0x5a: {  	_ =	shalt  }
0x5b: {  	_ =	shalt  }
0x5c: {  	_ =	shalt  }
0x5d: {  	_ =	shalt  }
0x5e: {  	_ =	shalt  }
0x5f: {  	_ =	shalt  }
0x60: {  	_ =	shalt  }
0x61: {  	_ =	shalt  }
0x62: {  	_ =	shalt  }
0x63: {  	_ =	shalt  }
0x64: {  	_ =	shalt  }
0x65: {  	_ =	shalt  }
0x66: {  	_ =	shalt  }
0x67: {  	_ =	shalt  }
0x68: {  	_ =	shalt  }
0x69: {  	_ =	shalt  }
0x6a: {  	_ =	shalt  }
0x6b: {  	_ =	shalt  }
0x6c: {  	_ =	shalt  }
0x6d: {  	_ =	shalt  }
0x6e: {  	_ =	shalt  }
0x6f: {  	_ =	shalt  }
0x70: {  	_ =	shalt  }
0x71: {  	_ =	shalt  }
0x72: {  	_ =	shalt  }
0x73: {  	_ =	shalt  }
0x74: {  	_ =	shalt  }
0x75: {  	_ =	shalt  }
0x76: {  	_ =	shalt  }
0x77: {  	_ =	shalt  }
0x78: {  	_ =	shalt  }
0x79: {  	_ =	shalt  }
0x7a: {  	_ =	shalt  }
0x7b: {  	_ =	shalt  }
0x7c: {  	_ =	shalt  }
0x7d: {  	_ =	shalt  }
0x7e: {  	_ =	shalt  }
0x7f: {  	_ =	shalt  }
0x80: {  	_ =	shalt  }
0x81: {  	_ =	shalt  }
0x82: {  	_ =	shalt  }
0x83: {  	_ =	shalt  }
0x84: {  	_ =	shalt  }
0x85: {  	_ =	shalt  }
0x86: {  	_ =	shalt  }
0x87: {  	_ =	shalt  }
.Lfunc_end0:
.L_simem_size_0:
called_computation_lowered:
.L_overlay_start_0:
0x88: {  	s2 =	sld [smem:$0x3FD9]  }
0x89: {  	s3 =	sld [smem:$0x3FFE];
	_ =	sdelay $0x1  }
0x8a: {  	s1 =	srdreg.scid  }
0x8b: {  	s0 =	sand.u32 $0x1, s1  }
0x8c: {  	s17 =	sshll.u32 s0, $0xA;
	s2 =	sadd.s32 s3, s2  }
0x8d: {  	s2 =	sadd.s32 s2, s17  }
0x8e: {  	[smem:$0x3FC1] =	sst s2  }
0x8f: {  	_ = 	snop  }
0x90: {  	s2 =	sld [smem:$0x3FC7]  }
0x91: {  	s18 =	sld [smem:$0x3FD0];
	(tm) =	ssettm $0x1  }
0x92: {  	s4 =	sld [smem:$0x3FFB];
	_ =	sdelay $0x3  }
0x93: {  	_ =	strace s4  }
0x94: {  	s4 =	sld [smem:$0x3FFC];
	_ =	sdelay $0x3  }
0x95: {  	_ =	strace s4  }
0x96: {  	s4 =	sld [smem:$0x3FFD];
	_ =	sdelay $0x3  }
0x97: {  	_ =	strace s4  }
0x98: {  	_ =	strace $0x8FFFFFFF  }
0x99: {  	s19 =	sld [smem:$0x3FDB];
	_ =	sdelay $0x1  }
0x9a: {  	s5 =	simm.s32 $_scs_section_size  }
0x9b: {  	s6 =	simm.s32 $_size__tile_overlayer_lowered;
	s7 =	simm.s32 $_tile_overlayer_lowered  }
0x9c: {  	s22 =	simm.s32 $0x1BFF;
	s21 =	sshll.u32 s7, $0x1;
	s4 =	sadd.s32 s5, s19  }
0x9d: {  	s8 =	simm.s32 $0x0;
	s20 =	sshll.u32 s6, $0x1;
	s6 =	sadd.s32 s21, s4  }
0x9e: {  	[timem:s8], [sflag:s22] =	dma.local [hbm:s6], s20  }
0x9f: {  	_ =	swait.ge [sflag:s22], s20  }
0xa0: {  	s5 =	ssub.s32 $0x0, s20;
	[sflag:s22] =	ssyncset.done $0x0  }
0xa1: {  	[sflag:s22] =	ssyncadd.s32 s5;
	_ =	sdelay $0x1  }
0xa2: {  	s23 =	simm.s32 $0x1B8B  }
0xa3: {  	_ =	swait.ge [sflag:s23], $0x1  }
0xa4: {  	[sflag:s23] =	ssyncset.done $0x0  }
0xa5: {  	s25 =	simm.s32 $0x1B8E;
	s24 =	sld [smem:$0x3FFE];
	[sflag:s23] =	ssyncadd.s32 $0xFFFFFFFF  }
0xa6: {  	s26 =	simm.s32 $execute0_lowered;
	[smem:$0x3FD2] =	sst s25  }
0xa7: {  	s6 =	sshll.u32 s26, $0x1;
	_ =	strace $0x80000046;
	[dreg:$0x1] =	wrdreg $0xFFFFFFFF  }
0xa8: {  	s28 =	simm.s32 $_size_execute0_lowered;
	s4 =	sadd.s32 s4, s6;
	[dreg:$0x0] =	wrdreg $0x0  }
0xa9: {  	s6 =	sshll.u32 s28, $0x1;
	[dreg:$0x2] =	wrdreg s4  }
0xaa: {  	[dreg:$0x3] =	wrdreg s6  }
0xab: {  	[dreg:$0x4] =	wrdreg $0xC0  }
0xac: {  	_ =	task [dreg:s8], $0x5FFFF  }
0xad: {  	[dreg:$0x1] =	wrdreg $0xFFFFFFFF  }
0xae: {  	[dreg:$0x0] =	wrdreg $0x60  }
0xaf: {  	[dreg:$0x2] =	wrdreg s24  }
0xb0: {  	[dreg:$0x3] =	wrdreg s2  }
0xb1: {  	[dreg:$0x4] =	wrdreg s18  }
0xb2: {  	[dreg:$0x5] =	wrdreg $0x9  }
0xb3: {  	_ =	task.clear_ibuf [dreg:s8], $0x6FFFF;
	_ =	strace $0x90000046  }
0xb4: {  	s29 =	simm.s32 $0x9;
	_ =	strace $0x80000048  }
0xb5: {  	_ =	swait.ge [sflag:s29], $0x1  }
0xb6: {  	[sflag:s29] =	ssyncadd.s32 $0xFFFFFFFF  }
0xb7: {  	_ =	strace $0x90000048  }
0xb8: {  	_ =	sfence  }
0xb9: {  	s30 =	sld [smem:$0x0];
	_ =	sdelay $0x2  }
0xba: {  	s31 =	sshll.u32 s1, $0xD;
	s1 =	sshrl.u32 s1, $0x2  }
0xbb: {  	s3 =	sand.u32 $0x4000, s31;
	s1 =	sadd.s32 s1, s30  }
0xbc: {  	s0 =	sor.u32 s3, s0;
	s1 =	sshll.u32 s1, $0x11  }
0xbd: {  	s0 =	sor.u32 s1, s0  }
0xbe: {  	s0 =	sadd.s32 $0x8F2B, s0  }
0xbf: {  	[sflag:s0] =	ssyncadd.remote.s32 $0x1  }
0xc0: {  	_ =	sfence.sel $0xFFFF  }
0xc1: {  	[dreg:$0x0] =	wrdreg $0xFFFFFFFF;
	(pc) =	sbr.abs _section_cstart, $3  }
0xc2: {  	[dreg:$0x1] =	wrdreg $0xFFFFFFFF  }
0xc3: {  	_ =	task.clear_ibuf [dreg:s8], $0x2FFFF;
	_ =	strace $0x9FFFFFFF  }
0xc4: {  	(tm) =	ssettm $0x7FFFFFFF  }
0xc5: {  	_ =	shalt  }
tec
execute0_lowered:
.L_overlay_start_1:
0x0: {  	(tag) =	ssettag $0x1  }
0x1: {  	s3 =	rddreg [dreg:$0x0];
	s1 =	srdreg.scid  }
0x2: {  	s0 =	stileid.u32;
	s4 =	rddreg [dreg:$0x1]  }
0x3: {  	s6 =	rddreg [dreg:$0x2];
	s5 =	sand.u32 $0x1, s1;
	s31 =	sshll.u32 s0, $0x1  }
0x4: {  	s2 =	simm.s32 $0x0;
	s9 =	simm.s32 $0x4E20;
	s7 =	sor.u32 s5, s31  }
0x5: {  	s1 =	rddreg [dreg:$0x3];
	s5 =	ssub.s32 $0x2, s5;
	s7 =	smul.u32 $0x4E2, s7  }
0x6: {  	s10 =	simm.s32 $0x0;
	[smem:$0x7FF] =	sst s2;
	s8 =	sshrl.u32 s5, $0x1  }
0x7: {  	_ =	strace $0x80000047;
	s8 =	ssub.s32 s5, s8;
	s3 =	sadd.s32 s7, s3  }
0x8: {  	s4 =	sadd.s32 s4, s7;
	s5 =	sadd.s32 s6, s7;
	s6 =	smax.u32 s8, $0x1  }
0x9: {  	v0 =	vimm.f32 $0.0e+00;
	s7 =	simm.s32 $0x1;
	s8 =	simm.s32 $0x2710;
	s3 =	sadd.s32 $0xB400, s3  }
.LBB2_1:
0xa: {  	[tilespmem:s2], [sflag:$0x1] =	stream.linear.gather [hbm4b:s3+s2], $0x2710, $0x38;
	[tilespmem:$0x7530] =	vst v63  }
0xb: {  	_ =	swait.ge [sflag:s7], $0x2710  }
0xc: {  	[sflag:s7] =	ssyncset.done $0x0  }
0xd: {  	[sflag:s7] =	ssyncadd.s32 $0xFFFFD8F0  }
0xe: {  	[tilespmem:s8], [sflag:$0x1] =	stream.linear.gather [hbm4b:s4+s2], $0x2710, $0x38;
	[tilespmem:$0x7530] =	vst v63  }
0xf: {  	_ =	swait.ge [sflag:s7], $0x2710  }
0x10: {  	[sflag:s7] =	ssyncset.done $0x0  }
0x11: {  	s11 =	simm.s32 $0x0;
	[sflag:s7] =	ssyncadd.s32 $0xFFFFD8F0  }
.LBB2_2:
0x12: {  	p0 =	sne.s32 s11, $0x9C00  }
.Ltmp0:
0x13: {  	_ = 	snop;
	(pc) =	sbr.rel @p0 .LBB2_2-.Ltmp0, $3  }
0x14: {  	_ =	sdelay $0x1  }
0x15: {  	s12 =	sshra.s32 s11, $0x2  }
0x16: {  	s11 =	sadd.s32 $0x40, s11;
	[tilespmem:s12+$0x4E20] =	vst v0  }
0x17: {  	s12 =	simm.s32 $0x0;
	s11 =	simm.s32 $0x40  }
.LBB2_4:
0x18: {  	p0 =	sne.s32 s11, $0x9C00;
	v1 =	vld [tilespmem:s12+$0x0];
	_ =	sdelay $0x2  }
0x19: {  	v2 =	vld [tilespmem:s12+$0x2710]  }
.Ltmp1:
0x1a: {  	(pc) =	sbr.rel @p0 .LBB2_4-.Ltmp1, $2  }
0x1b: {  	_ =	sdelay $0x2  }
0x1c: {  	s12 =	sshra.s32 s11, $0x2;
	s11 =	sadd.s32 $0x40, s11;
	[tilespmem:v1+s9+$0x0] =	vst.idx.add.f32.msk $0xffff, v2  }
0x1d: {  	v1 =	vld [tilespmem:s12+$0x0];
	_ =	sdelay $0x2  }
0x1e: {  	v2 =	vld [tilespmem:s12+$0x2710];
	_ =	sdelay $0x2  }
0x1f: {  	s10 =	sadd.s32 $0x1, s10  }
0x20: {  	p0 =	sne.s32 s10, s6  }
.Ltmp2:
0x21: {  	[tilespmem:v1+s9+$0x0] =	vst.idx.add.f32.msk $0xffff, v2;
	(pc) =	sbr.rel @p0 .LBB2_1-.Ltmp2, $4  }
0x22: {  	[hbm4b:s5+s2] =	stream.linear.scatter [tilespmem:s9], [sflag:$0x1], $0x2710, $0x38;
	[tilespmem:$0x7530] =	vst v63  }
0x23: {  	_ =	swait.ge [sflag:s7], $0x2710  }
0x24: {  	[sflag:s7] =	ssyncset.done $0x0  }
0x25: {  	[sflag:s7] =	ssyncadd.s32 $0xFFFFD8F0  }
0x26: {  	_ =	sfence.sel $0x180000  }
0x27: {  	[bflag:$0x0] =	sbarrier.arrive $0xFFFF  }
0x28: {  	p0 =	sne.s32 s0, $0x0;
	_ =	strace $0x90000047  }
0x29: {  	s0 =	sadd.s32 @!p0 $0x100000, s1;
	[bflag:$0x2] =	sbarrier.arrive $0xFFFF  }
0x2a: {  	[sflag:s0] =	ssyncadd.tile.s32 @!p0 $0x1;
	_ =	shalt  }
.Lfunc_end2:
_tile_overlayer_lowered:
.L_overlay_start_2:
0x2b: {  	(tag) =	ssettag $0x2  }
0x2c: {  	s0 =	rddreg [dreg:$0x0];
	s2 =	stileid.u32  }
0x2d: {  	s1 =	rddreg [dreg:$0x1];
	p0 =	sne.s32 s2, $0x0  }
0x2e: {  	s3 =	rddreg [dreg:$0x2];
	[bflag:$0x3] =	sbarrier.arrive $0xFFFF;
	s2 =	simm.s32 @!p0 $0x1C01  }
0x2f: {  	[timem:s3], [sflag:s2] =	dma.local @!p0 [hbm:s0], s1  }
0x30: {  	s0 =	simm.s32 @!p0 $0x1  }
0x31: {  	_ =	swait.ge @!p0 [sflag:s0], s1  }
0x32: {  	s1 =	ssub.s32 @!p0 $0x0, s1;
	[sflag:s0] =	ssyncset.done @!p0 $0x0  }
0x33: {  	[sflag:s0] =	ssyncadd.s32 @!p0 s1  }
0x34: {  	[bflag:$0x3] =	sbarrier.arrive $0xFFFF  }
0x35: {  	_ =	shalt  }

</sc_bundles>
